<compile_context>
chip_gen: v7x
topology: tpu7x:2x2x1
jax: 0.10.2.dev20260603
libtpu: 0.0.44.dev20260713+nightly
codegen_flags: <defaults>
</compile_context>

<pallas_src>
import functools

import jax
import jax.numpy as jnp
from jax.experimental import pallas as pl
from jax.experimental.pallas import tpu as pltpu
from jax.experimental.pallas import tpu_sc as plsc

N = 512
F = 256
TAU = 0.1
EPS = 1e-10
BI = 128
NBLK = N // BI
JC = 256
NJC = N // JC
BI2 = 64
NBLK2 = N // BI2
NEG_SLOPE = 0.01
INV_CNT = 1.0 / (N - 1)
SC_CORES = 2
SC_SUBCORES = 16
SC_LANES = 16
SC_ROWS = N // (SC_CORES * SC_SUBCORES)


def _lrelu(x):
    return jnp.maximum(x, NEG_SLOPE * x)


def _stage1_kernel(x_ref, wp_ref, bp_ref, w1a_ref, w1b_ref, b1_ref, w2_ref,
                   mean_ref, s2_ref, sA, sB):
    i = pl.program_id(0)

    @pl.when(i == 0)
    def _prologue():
        h = jnp.dot(x_ref[:], wp_ref[:], preferred_element_type=jnp.float32) + bp_ref[:]
        sA[:] = jnp.dot(h, w1a_ref[:], preferred_element_type=jnp.float32)
        sB[:] = jnp.dot(h, w1b_ref[:], preferred_element_type=jnp.float32) + b1_ref[:]

    a_blk = sA[pl.ds(i * BI, BI), :]
    w2 = w2_ref[:]
    seg = jnp.zeros((BI, F), jnp.float32)
    for jc in range(NJC):
        b_chunk = sB[pl.ds(jc * JC, JC), :]
        t = _lrelu(a_blk[:, None, :] + b_chunk[None, :, :])
        seg = seg + t.sum(axis=1)
        s2c = jnp.dot(t.reshape(BI * JC, F), w2.reshape(F, 1),
                      preferred_element_type=jnp.float32)
        s2_ref[:, jc * JC:(jc + 1) * JC] = s2c.reshape(BI, JC)
    diag = _lrelu(a_blk + sB[pl.ds(i * BI, BI), :])
    mean_ref[:] = (seg - diag) * INV_CNT


def _stage2_kernel(mean_ref, we_ref, be_ref, w2a_ref, w2b_ref, b2_ref,
                   w1_ref, fcob_ref, s2_ref, noise_ref,
                   g_ref, sC, sD):
    i = pl.program_id(0)

    @pl.when(i == 0)
    def _prologue():
        h2 = _lrelu(jnp.dot(mean_ref[:], we_ref[:],
                            preferred_element_type=jnp.float32) + be_ref[:])
        sC[:] = jnp.dot(h2, w2a_ref[:], preferred_element_type=jnp.float32)
        sD[:] = jnp.dot(h2, w2b_ref[:], preferred_element_type=jnp.float32) + b2_ref[:]

    c_blk = sC[pl.ds(i * BI, BI), :]
    w1 = w1_ref[:]
    chunks = []
    for jc in range(NJC):
        d_chunk = sD[pl.ds(jc * JC, JC), :]
        t = _lrelu(c_blk[:, None, :] + d_chunk[None, :, :])
        s1c = jnp.dot(t.reshape(BI * JC, F), w1.reshape(F, 1),
                      preferred_element_type=jnp.float32)
        chunks.append(s1c.reshape(BI, JC))
    s1 = jnp.concatenate(chunks, axis=1)

    logits = s1 + s2_ref[:] + fcob_ref[:]
    col = jax.lax.broadcasted_iota(jnp.int32, (BI, N), 1)
    row = i * BI + jax.lax.broadcasted_iota(jnp.int32, (BI, N), 0)
    neg_inf = jnp.float32(-jnp.inf)
    logits = jnp.where(col == row, neg_inf, logits)

    g_ref[:] = logits + noise_ref[:]


def _kl_kernel(g_ref, noise_ref, kl_ref):
    i = pl.program_id(0)
    logits = g_ref[:] - noise_ref[:]
    m = logits.max(axis=1, keepdims=True)
    x = logits - m
    e = jnp.exp(x)
    xc = jnp.maximum(x, -100.0)
    z = e.sum(axis=1, keepdims=True)
    s = (e * xc).sum(axis=1, keepdims=True)
    ent = (jnp.log(z) - s / z).sum()
    prev = kl_ref[:]
    acc = jnp.where(i == 0, jnp.zeros_like(prev), prev) + ent
    kl_ref[:] = jnp.where(i == NBLK2 - 1, acc * (1.0 / (N * N)), acc)


SC_UNROLL = 8


def _route_kernel(g_hbm, z_hbm, rel_hbm, kidx_hbm, gv, rv, kv, sem):
    wid = (jax.lax.axis_index("s") * SC_CORES + jax.lax.axis_index("c"))
    base = wid * (SC_ROWS * N)
    pltpu.sync_copy(g_hbm.at[pl.ds(base, SC_ROWS * N)], gv)
    zfill = pltpu.async_copy(z_hbm, rv, sem)

    lanes = jax.lax.broadcasted_iota(jnp.int32, (SC_LANES,), 0)
    rowoff = lanes * N

    def body(o, carry):
        m, bi = carry
        cbase = rowoff + jnp.full((SC_LANES,), o * SC_UNROLL, jnp.int32)
        for k in range(SC_UNROLL):
            v = plsc.load_gather(gv, [cbase + k])
            upd = v > m
            m = jnp.where(upd, v, m)
            bi = jnp.where(upd, o * SC_UNROLL + k, bi)
        return m, bi

    init = (jnp.full((SC_LANES,), -jnp.inf, jnp.float32),
            jnp.zeros((SC_LANES,), jnp.int32))
    _, bi = jax.lax.fori_loop(0, N // SC_UNROLL, body, init)

    zfill.wait()
    plsc.store_scatter(rv, [rowoff + bi], jnp.ones((SC_LANES,), jnp.float32))
    kv[...] = bi
    pltpu.sync_copy(rv, rel_hbm.at[pl.ds(base, SC_ROWS * N)])
    pltpu.sync_copy(kv, kidx_hbm.at[pl.ds(wid * SC_ROWS, SC_ROWS)])


def kernel(feature_emb, proj_W, proj_b, n2e_W, n2e_b, e2n_W, e2n_b,
           n2e2_W, n2e2_b, fco_W, fco_b):
    f32 = jnp.float32
    bp = proj_b.reshape(1, F)
    w1a, w1b = n2e_W[:F], n2e_W[F:]
    b1 = n2e_b.reshape(1, F)
    be = e2n_b.reshape(1, F)
    w2a, w2b = n2e2_W[:F], n2e2_W[F:]
    b2 = n2e2_b.reshape(1, F)
    wfc1 = fco_W[:F, 0].reshape(1, F)
    wfc2 = fco_W[F:, 0].reshape(1, F)
    fcob = fco_b.reshape(1, 1)

    U = jax.random.uniform(jax.random.key(42), (N, N), dtype=f32)
    noise = -jnp.log(EPS - jnp.log(U + EPS))

    full = lambda shape: pl.BlockSpec(shape, lambda i: (0,) * len(shape))
    rowblk = lambda w: pl.BlockSpec((BI, w), lambda i: (i, 0))

    mean, s2 = pl.pallas_call(
        _stage1_kernel,
        grid=(NBLK,),
        in_specs=[full((N, F)), full((F, F)), full((1, F)), full((F, F)),
                  full((F, F)), full((1, F)), full((1, F))],
        out_specs=[rowblk(F), rowblk(N)],
        out_shape=[jax.ShapeDtypeStruct((N, F), f32),
                   jax.ShapeDtypeStruct((N, N), f32)],
        scratch_shapes=[pltpu.VMEM((N, F), f32), pltpu.VMEM((N, F), f32)],
    )(feature_emb, proj_W, bp, w1a, w1b, b1, wfc2)

    g = pl.pallas_call(
        _stage2_kernel,
        grid=(NBLK,),
        in_specs=[full((N, F)), full((F, F)), full((1, F)), full((F, F)),
                  full((F, F)), full((1, F)), full((1, F)), full((1, 1)),
                  rowblk(N), rowblk(N)],
        out_specs=rowblk(N),
        out_shape=jax.ShapeDtypeStruct((N, N), f32),
        scratch_shapes=[pltpu.VMEM((N, F), f32), pltpu.VMEM((N, F), f32)],
    )(mean, e2n_W, be, w2a, w2b, b2, wfc1, fcob, s2, noise)

    route = functools.partial(
        pl.kernel,
        mesh=plsc.VectorSubcoreMesh(core_axis_name="c", subcore_axis_name="s"),
        out_type=[jax.ShapeDtypeStruct((N * N,), f32),
                  jax.ShapeDtypeStruct((N,), jnp.int32)],
        scratch_types=[pltpu.VMEM((SC_ROWS * N,), f32),
                       pltpu.VMEM((SC_ROWS * N,), f32),
                       pltpu.VMEM((SC_ROWS,), jnp.int32),
                       pltpu.SemaphoreType.DMA],
        compiler_params=pltpu.CompilerParams(needs_layout_passes=False),
    )(_route_kernel)
    rel_flat, kidx = route(g.reshape(N * N), jnp.zeros((SC_ROWS * N,), f32))
    rel = rel_flat.reshape(N, N)

    kl = pl.pallas_call(
        _kl_kernel,
        grid=(NBLK2,),
        in_specs=[pl.BlockSpec((BI2, N), lambda i: (i, 0)),
                  pl.BlockSpec((BI2, N), lambda i: (i, 0))],
        out_specs=pl.BlockSpec((1, 1), lambda i: (0, 0)),
        out_shape=jax.ShapeDtypeStruct((1, 1), f32),
    )(g, noise)

    relation_index = jnp.stack([jnp.arange(N, dtype=jnp.int32), kidx])
    return rel, relation_index, kl.reshape(())

# --- scband reference (transcript-rebuilt; emitter-appended) ---
"""Pipeline reference for scband-graph-learning-layer-78314433675286 (READ-ONLY COPY).

The authoritative reference and input builder live on the scoring server;
editing this copy changes nothing except your own understanding.
"""

import jax, jax.numpy as jnp
import numpy as np

N = 512
IN_DIM = 256
OUT_DIM = 256
TAU = 0.1
EPS = 1e-10

_adj_mask = np.ones((N, N)) - np.eye(N)
_idx = np.nonzero(_adj_mask)
SRC = jnp.asarray(_idx[0].astype(np.int32))
DST = jnp.asarray(_idx[1].astype(np.int32))


def _linear_params(key, fan_in, fan_out):
    kw, kb = jax.random.split(key)
    lim = 1.0 / np.sqrt(fan_in)
    W = jax.random.uniform(kw, (fan_in, fan_out), jnp.float32, -lim, lim)
    b = jax.random.uniform(kb, (fan_out,), jnp.float32, -lim, lim)
    return W, b


def setup_inputs(seed: int = 0) -> dict:
    key = jax.random.key(seed)
    ks = jax.random.split(key, 6)
    feature_emb = jax.random.normal(ks[0], (N, IN_DIM), dtype=jnp.float32)
    proj_W, proj_b = _linear_params(ks[1], IN_DIM, OUT_DIM)
    n2e_W, n2e_b = _linear_params(ks[2], 2 * OUT_DIM, OUT_DIM)
    e2n_W, e2n_b = _linear_params(ks[3], OUT_DIM, OUT_DIM)
    n2e2_W, n2e2_b = _linear_params(ks[4], 2 * OUT_DIM, OUT_DIM)
    fco_W, fco_b = _linear_params(ks[5], 2 * OUT_DIM, 1)
    return {"feature_emb": feature_emb, "proj_W": proj_W, "proj_b": proj_b,
            "n2e_W": n2e_W, "n2e_b": n2e_b, "e2n_W": e2n_W, "e2n_b": e2n_b,
            "n2e2_W": n2e2_W, "n2e2_b": n2e2_b, "fco_W": fco_W, "fco_b": fco_b}


def _coo_to_adj(rel):
    # replicates the python loop: strip i of N values -> flat positions i*N+i+1 .. (i+1)*N+i
    i = jnp.arange(N - 1)
    j = jnp.arange(N)
    pos = (i * N + i + 1)[:, None] + j[None, :]
    adj = jnp.full((N * N,), -jnp.inf, dtype=rel.dtype)
    adj = adj.at[pos.reshape(-1)].set(rel.reshape(-1))
    return adj.reshape(N, N)


def _forward(feature_emb, proj_W, proj_b, n2e_W, n2e_b, e2n_W, e2n_b, n2e2_W, n2e2_b, fco_W, fco_b):
    h = feature_emb @ proj_W + proj_b
    h_e = jax.nn.leaky_relu(jnp.concatenate([h[SRC], h[DST]], axis=1) @ n2e_W + n2e_b)
    h_e_skip = h_e
    seg_sum = jax.ops.segment_sum(h_e, SRC, num_segments=N)
    cnt = jax.ops.segment_sum(jnp.ones((SRC.shape[0],), dtype=h_e.dtype), SRC, num_segments=N)
    cnt = jnp.maximum(cnt, 1.0)  # scatter_mean
    h = jax.nn.leaky_relu((seg_sum / cnt[:, None]) @ e2n_W + e2n_b)
    h_e = jax.nn.leaky_relu(jnp.concatenate([h[SRC], h[DST]], axis=1) @ n2e2_W + n2e2_b)
    h_e = jnp.concatenate([h_e, h_e_skip], axis=1) @ fco_W + fco_b
    logits = _coo_to_adj(h_e.squeeze(-1))
    # gumbel_softmax(hard=True), training path
    U = jax.random.uniform(jax.random.key(42), (N, N), dtype=logits.dtype)
    noise = -jnp.log(EPS - jnp.log(U + EPS))
    y_soft = jax.nn.softmax((logits + noise) / TAU, axis=1)
    k = jnp.argmax(y_soft, axis=-1)
    y_hard = jax.nn.one_hot(k, N, dtype=y_soft.dtype)
    relation = jax.lax.stop_gradient(y_hard - y_soft) + y_soft
    probs = jax.nn.softmax(logits, axis=1)
    kl_loss = -(probs * jnp.log(probs + 1e-16)).sum() / (N * probs.shape[0])
    return relation, kl_loss


def reference(feature_emb, proj_W, proj_b, n2e_W, n2e_b, e2n_W, e2n_b, n2e2_W, n2e2_b, fco_W, fco_b):
    relation, kl_loss = _forward(feature_emb, proj_W, proj_b, n2e_W, n2e_b, e2n_W, e2n_b,
                                 n2e2_W, n2e2_b, fco_W, fco_b)
    relation_index = jnp.stack(jnp.nonzero(relation, size=N))
    return relation, relation_index, kl_loss

if __name__ == "__main__":
    import jax
    _d = setup_inputs()
    print(jax.jit(kernel)(*tuple(_d.values())))

</pallas_src>

<mosaic_0001>
#map = affine_map<(d0, d1) -> (0)>
module attributes {stable_mosaic.version = 14 : i64} {
  func.func @_route_kernel(%arg0: i32, %arg1: i32, %arg2: memref<262144xf32, #tpu.memory_space<hbm>>, %arg3: memref<8192xf32, #tpu.memory_space<hbm>>, %arg4: memref<262144xf32, #tpu.memory_space<hbm>>, %arg5: memref<512xi32, #tpu.memory_space<hbm>>, %arg6: memref<8192xf32, #tpu.memory_space<vmem>>, %arg7: memref<8192xf32, #tpu.memory_space<vmem>>, %arg8: memref<16xi32, #tpu.memory_space<vmem>>, %arg9: memref<!tpu.dma_semaphore, #tpu.memory_space<semaphore_mem>>) attributes {dimension_semantics = [#tpu.dimension_semantics<core_parallel>, #tpu.dimension_semantics<subcore_parallel>], iteration_bounds = array<i64: 2, 16>, scalar_prefetch = 0 : i64, scratch_operands = 4 : i64, tpu.core_type = #tpu.core_type<sc_vector_subcore>, window_params = [{transform_indices = #map}, {transform_indices = #map}, {transform_indices = #map}, {transform_indices = #map}]} {
    %mul3A = arith.constant 2 : i32
    %mul3A_0 = arith.muli %arg1, %mul3A : i32
    %add3A = arith.addi %mul3A_0, %arg0 : i32
    %mul3A_1 = arith.constant 8192 : i32
    %mul3A_2 = arith.muli %add3A, %mul3A_1 : i32
    "tpu.region"() ({
      %run_scoped3A = tpu.sem_alloc : memref<!tpu.dma_semaphore, #tpu.memory_space<semaphore_mem>>
      %dma_start3A = tpu.memref_slice %arg2[%mul3A_2] : memref<262144xf32, #tpu.memory_space<hbm>> -> memref<8192xf32, #tpu.memory_space<hbm>>
      %dma_start3A_20 = tpu.memref_slice %arg2[%mul3A_2] : memref<262144xf32, #tpu.memory_space<hbm>> -> memref<8192xf32, #tpu.memory_space<hbm>>
      tpu.enqueue_dma source(%dma_start3A_20 : memref<8192xf32, #tpu.memory_space<hbm>>) target(%arg6 : memref<8192xf32, #tpu.memory_space<vmem>>) target_semaphore(%run_scoped3A : memref<!tpu.dma_semaphore, #tpu.memory_space<semaphore_mem>>)
      %dma_wait3A = tpu.memref_slice %arg2[%mul3A_2] : memref<262144xf32, #tpu.memory_space<hbm>> -> memref<8192xf32, #tpu.memory_space<hbm>>
      %dma_wait3A_21 = tpu.memref_slice %arg2[%mul3A_2] : memref<262144xf32, #tpu.memory_space<hbm>> -> memref<8192xf32, #tpu.memory_space<hbm>>
      tpu.wait_dma2 semaphore(%run_scoped3A : memref<!tpu.dma_semaphore, #tpu.memory_space<semaphore_mem>>) src(%dma_wait3A_21 : memref<8192xf32, #tpu.memory_space<hbm>>) dst(%arg6 : memref<8192xf32, #tpu.memory_space<vmem>>)
      tpu.yield
    }) : () -> ()
    tpu.enqueue_dma source(%arg3 : memref<8192xf32, #tpu.memory_space<hbm>>) target(%arg7 : memref<8192xf32, #tpu.memory_space<vmem>>) target_semaphore(%arg9 : memref<!tpu.dma_semaphore, #tpu.memory_space<semaphore_mem>>)
    %iota3A = tpu.iota {dimensions = array<i32: 0>} : vector<16xi32>
    %mul3A_3 = arith.constant 512 : i32
    %mul3A_4 = vector.broadcast %mul3A_3 : i32 to vector<16xi32>
    %mul3A_5 = arith.muli %iota3A, %mul3A_4 : vector<16xi32>
    %broadcast_in_dim3A = arith.constant 0xFF800000 : f32
    %broadcast_in_dim3A_6 = vector.broadcast %broadcast_in_dim3A : f32 to vector<16xf32>
    %broadcast_in_dim3A_7 = arith.constant 0 : i32
    %broadcast_in_dim3A_8 = vector.broadcast %broadcast_in_dim3A_7 : i32 to vector<16xi32>
    %scan3A = arith.constant 0 : i32
    %scan3A_9 = arith.constant 64 : i32
    %scan3A_10 = arith.addi %scan3A, %scan3A_9 : i32
    %scan3A_11 = arith.constant 1 : i32
    %scan3A_12:2 = scf.for %scan3A_20 = %scan3A to %scan3A_10 step %scan3A_11 iter_args(%scan3A_21 = %broadcast_in_dim3A_6, %scan3A_22 = %broadcast_in_dim3A_8) -> (vector<16xf32>, vector<16xi32>)  : i32 {
      %mul3A_23 = arith.constant 8 : i32
      %mul3A_24 = arith.muli %scan3A_20, %mul3A_23 : i32
      %broadcast_in_dim3A_25 = vector.broadcast %mul3A_24 : i32 to vector<16xi32>
      %add3A_26 = arith.addi %mul3A_5, %broadcast_in_dim3A_25 : vector<16xi32>
      %add3A_27 = arith.constant 0 : i32
      %add3A_28 = vector.broadcast %add3A_27 : i32 to vector<16xi32>
      %add3A_29 = arith.addi %add3A_26, %add3A_28 : vector<16xi32>
      %gather3A = tpu.vector_load_idx %arg6[%add3A_29] : memref<8192xf32, #tpu.memory_space<vmem>>[vector<16xi32>], vector<16xf32>,
      %gt3A = arith.cmpf ogt, %gather3A, %scan3A_21 : vector<16xf32>
      %select_n3A = arith.select %gt3A, %gather3A, %scan3A_21 : vector<16xi1>, vector<16xf32>
      %mul3A_30 = arith.constant 8 : i32
      %mul3A_31 = arith.muli %scan3A_20, %mul3A_30 : i32
      %add3A_32 = arith.constant 0 : i32
      %add3A_33 = arith.addi %mul3A_31, %add3A_32 : i32
      %broadcast_in_dim3A_34 = vector.broadcast %add3A_33 : i32 to vector<16xi32>
      %select_n3A_35 = arith.select %gt3A, %broadcast_in_dim3A_34, %scan3A_22 : vector<16xi1>, vector<16xi32>
      %add3A_36 = arith.constant 1 : i32
      %add3A_37 = vector.broadcast %add3A_36 : i32 to vector<16xi32>
      %add3A_38 = arith.addi %add3A_26, %add3A_37 : vector<16xi32>
      %gather3A_39 = tpu.vector_load_idx %arg6[%add3A_38] : memref<8192xf32, #tpu.memory_space<vmem>>[vector<16xi32>], vector<16xf32>,
      %gt3A_40 = arith.cmpf ogt, %gather3A_39, %select_n3A : vector<16xf32>
      %select_n3A_41 = arith.select %gt3A_40, %gather3A_39, %select_n3A : vector<16xi1>, vector<16xf32>
      %mul3A_42 = arith.constant 8 : i32
      %mul3A_43 = arith.muli %scan3A_20, %mul3A_42 : i32
      %add3A_44 = arith.constant 1 : i32
      %add3A_45 = arith.addi %mul3A_43, %add3A_44 : i32
      %broadcast_in_dim3A_46 = vector.broadcast %add3A_45 : i32 to vector<16xi32>
      %select_n3A_47 = arith.select %gt3A_40, %broadcast_in_dim3A_46, %select_n3A_35 : vector<16xi1>, vector<16xi32>
      %add3A_48 = arith.constant 2 : i32
      %add3A_49 = vector.broadcast %add3A_48 : i32 to vector<16xi32>
      %add3A_50 = arith.addi %add3A_26, %add3A_49 : vector<16xi32>
      %gather3A_51 = tpu.vector_load_idx %arg6[%add3A_50] : memref<8192xf32, #tpu.memory_space<vmem>>[vector<16xi32>], vector<16xf32>,
      %gt3A_52 = arith.cmpf ogt, %gather3A_51, %select_n3A_41 : vector<16xf32>
      %select_n3A_53 = arith.select %gt3A_52, %gather3A_51, %select_n3A_41 : vector<16xi1>, vector<16xf32>
      %mul3A_54 = arith.constant 8 : i32
      %mul3A_55 = arith.muli %scan3A_20, %mul3A_54 : i32
      %add3A_56 = arith.constant 2 : i32
      %add3A_57 = arith.addi %mul3A_55, %add3A_56 : i32
      %broadcast_in_dim3A_58 = vector.broadcast %add3A_57 : i32 to vector<16xi32>
      %select_n3A_59 = arith.select %gt3A_52, %broadcast_in_dim3A_58, %select_n3A_47 : vector<16xi1>, vector<16xi32>
      %add3A_60 = arith.constant 3 : i32
      %add3A_61 = vector.broadcast %add3A_60 : i32 to vector<16xi32>
      %add3A_62 = arith.addi %add3A_26, %add3A_61 : vector<16xi32>
      %gather3A_63 = tpu.vector_load_idx %arg6[%add3A_62] : memref<8192xf32, #tpu.memory_space<vmem>>[vector<16xi32>], vector<16xf32>,
      %gt3A_64 = arith.cmpf ogt, %gather3A_63, %select_n3A_53 : vector<16xf32>
      %select_n3A_65 = arith.select %gt3A_64, %gather3A_63, %select_n3A_53 : vector<16xi1>, vector<16xf32>
      %mul3A_66 = arith.constant 8 : i32
      %mul3A_67 = arith.muli %scan3A_20, %mul3A_66 : i32
      %add3A_68 = arith.constant 3 : i32
      %add3A_69 = arith.addi %mul3A_67, %add3A_68 : i32
      %broadcast_in_dim3A_70 = vector.broadcast %add3A_69 : i32 to vector<16xi32>
      %select_n3A_71 = arith.select %gt3A_64, %broadcast_in_dim3A_70, %select_n3A_59 : vector<16xi1>, vector<16xi32>
      %add3A_72 = arith.constant 4 : i32
      %add3A_73 = vector.broadcast %add3A_72 : i32 to vector<16xi32>
      %add3A_74 = arith.addi %add3A_26, %add3A_73 : vector<16xi32>
      %gather3A_75 = tpu.vector_load_idx %arg6[%add3A_74] : memref<8192xf32, #tpu.memory_space<vmem>>[vector<16xi32>], vector<16xf32>,
      %gt3A_76 = arith.cmpf ogt, %gather3A_75, %select_n3A_65 : vector<16xf32>
      %select_n3A_77 = arith.select %gt3A_76, %gather3A_75, %select_n3A_65 : vector<16xi1>, vector<16xf32>
      %mul3A_78 = arith.constant 8 : i32
      %mul3A_79 = arith.muli %scan3A_20, %mul3A_78 : i32
      %add3A_80 = arith.constant 4 : i32
      %add3A_81 = arith.addi %mul3A_79, %add3A_80 : i32
      %broadcast_in_dim3A_82 = vector.broadcast %add3A_81 : i32 to vector<16xi32>
      %select_n3A_83 = arith.select %gt3A_76, %broadcast_in_dim3A_82, %select_n3A_71 : vector<16xi1>, vector<16xi32>
      %add3A_84 = arith.constant 5 : i32
      %add3A_85 = vector.broadcast %add3A_84 : i32 to vector<16xi32>
      %add3A_86 = arith.addi %add3A_26, %add3A_85 : vector<16xi32>
      %gather3A_87 = tpu.vector_load_idx %arg6[%add3A_86] : memref<8192xf32, #tpu.memory_space<vmem>>[vector<16xi32>], vector<16xf32>,
      %gt3A_88 = arith.cmpf ogt, %gather3A_87, %select_n3A_77 : vector<16xf32>
      %select_n3A_89 = arith.select %gt3A_88, %gather3A_87, %select_n3A_77 : vector<16xi1>, vector<16xf32>
      %mul3A_90 = arith.constant 8 : i32
      %mul3A_91 = arith.muli %scan3A_20, %mul3A_90 : i32
      %add3A_92 = arith.constant 5 : i32
      %add3A_93 = arith.addi %mul3A_91, %add3A_92 : i32
      %broadcast_in_dim3A_94 = vector.broadcast %add3A_93 : i32 to vector<16xi32>
      %select_n3A_95 = arith.select %gt3A_88, %broadcast_in_dim3A_94, %select_n3A_83 : vector<16xi1>, vector<16xi32>
      %add3A_96 = arith.constant 6 : i32
      %add3A_97 = vector.broadcast %add3A_96 : i32 to vector<16xi32>
      %add3A_98 = arith.addi %add3A_26, %add3A_97 : vector<16xi32>
      %gather3A_99 = tpu.vector_load_idx %arg6[%add3A_98] : memref<8192xf32, #tpu.memory_space<vmem>>[vector<16xi32>], vector<16xf32>,
      %gt3A_100 = arith.cmpf ogt, %gather3A_99, %select_n3A_89 : vector<16xf32>
      %select_n3A_101 = arith.select %gt3A_100, %gather3A_99, %select_n3A_89 : vector<16xi1>, vector<16xf32>
      %mul3A_102 = arith.constant 8 : i32
      %mul3A_103 = arith.muli %scan3A_20, %mul3A_102 : i32
      %add3A_104 = arith.constant 6 : i32
      %add3A_105 = arith.addi %mul3A_103, %add3A_104 : i32
      %broadcast_in_dim3A_106 = vector.broadcast %add3A_105 : i32 to vector<16xi32>
      %select_n3A_107 = arith.select %gt3A_100, %broadcast_in_dim3A_106, %select_n3A_95 : vector<16xi1>, vector<16xi32>
      %add3A_108 = arith.constant 7 : i32
      %add3A_109 = vector.broadcast %add3A_108 : i32 to vector<16xi32>
      %add3A_110 = arith.addi %add3A_26, %add3A_109 : vector<16xi32>
      %gather3A_111 = tpu.vector_load_idx %arg6[%add3A_110] : memref<8192xf32, #tpu.memory_space<vmem>>[vector<16xi32>], vector<16xf32>,
      %gt3A_112 = arith.cmpf ogt, %gather3A_111, %select_n3A_101 : vector<16xf32>
      %select_n3A_113 = arith.select %gt3A_112, %gather3A_111, %select_n3A_101 : vector<16xi1>, vector<16xf32>
      %mul3A_114 = arith.constant 8 : i32
      %mul3A_115 = arith.muli %scan3A_20, %mul3A_114 : i32
      %add3A_116 = arith.constant 7 : i32
      %add3A_117 = arith.addi %mul3A_115, %add3A_116 : i32
      %broadcast_in_dim3A_118 = vector.broadcast %add3A_117 : i32 to vector<16xi32>
      %select_n3A_119 = arith.select %gt3A_112, %broadcast_in_dim3A_118, %select_n3A_107 : vector<16xi1>, vector<16xi32>
      scf.yield %select_n3A_113, %select_n3A_119 : vector<16xf32>, vector<16xi32>
    }
    %scan3A_13 = arith.constant 64 : i32
    tpu.wait_dma2 semaphore(%arg9 : memref<!tpu.dma_semaphore, #tpu.memory_space<semaphore_mem>>) src(%arg3 : memref<8192xf32, #tpu.memory_space<hbm>>) dst(%arg7 : memref<8192xf32, #tpu.memory_space<vmem>>)
    %add3A_14 = arith.addi %mul3A_5, %scan3A_12#1 : vector<16xi32>
    %broadcast_in_dim3A_15 = arith.constant 1.000000e+00 : f32
    %broadcast_in_dim3A_16 = vector.broadcast %broadcast_in_dim3A_15 : f32 to vector<16xf32>
    tpu.vector_store_idx %arg7[%add3A_14], %broadcast_in_dim3A_16 : memref<8192xf32, #tpu.memory_space<vmem>>[vector<16xi32>], vector<16xf32>,
    %swap3A = arith.constant 0 : index
    %swap3A_17 = tpu.vector_load %arg8[%swap3A] {strides = array<i32>} : memref<16xi32, #tpu.memory_space<vmem>>, vector<16xi32>,
    tpu.vector_store %arg8[%swap3A], %scan3A_12#1 {strides = array<i32>} : memref<16xi32, #tpu.memory_space<vmem>>, vector<16xi32>,
    "tpu.region"() ({
      %run_scoped3A = tpu.sem_alloc : memref<!tpu.dma_semaphore, #tpu.memory_space<semaphore_mem>>
      %dma_start3A = tpu.memref_slice %arg4[%mul3A_2] : memref<262144xf32, #tpu.memory_space<hbm>> -> memref<8192xf32, #tpu.memory_space<hbm>>
      %dma_start3A_20 = tpu.memref_slice %arg4[%mul3A_2] : memref<262144xf32, #tpu.memory_space<hbm>> -> memref<8192xf32, #tpu.memory_space<hbm>>
      tpu.enqueue_dma source(%arg7 : memref<8192xf32, #tpu.memory_space<vmem>>) target(%dma_start3A_20 : memref<8192xf32, #tpu.memory_space<hbm>>) target_semaphore(%run_scoped3A : memref<!tpu.dma_semaphore, #tpu.memory_space<semaphore_mem>>)
      %dma_wait3A = tpu.memref_slice %arg4[%mul3A_2] : memref<262144xf32, #tpu.memory_space<hbm>> -> memref<8192xf32, #tpu.memory_space<hbm>>
      %dma_wait3A_21 = tpu.memref_slice %arg4[%mul3A_2] : memref<262144xf32, #tpu.memory_space<hbm>> -> memref<8192xf32, #tpu.memory_space<hbm>>
      tpu.wait_dma2 semaphore(%run_scoped3A : memref<!tpu.dma_semaphore, #tpu.memory_space<semaphore_mem>>) src(%arg7 : memref<8192xf32, #tpu.memory_space<vmem>>) dst(%dma_wait3A_21 : memref<8192xf32, #tpu.memory_space<hbm>>)
      tpu.yield
    }) : () -> ()
    %mul3A_18 = arith.constant 16 : i32
    %mul3A_19 = arith.muli %add3A, %mul3A_18 : i32
    "tpu.region"() ({
      %run_scoped3A = tpu.sem_alloc : memref<!tpu.dma_semaphore, #tpu.memory_space<semaphore_mem>>
      %dma_start3A = tpu.memref_slice %arg5[%mul3A_19] : memref<512xi32, #tpu.memory_space<hbm>> -> memref<16xi32, #tpu.memory_space<hbm>>
      %dma_start3A_20 = tpu.memref_slice %arg5[%mul3A_19] : memref<512xi32, #tpu.memory_space<hbm>> -> memref<16xi32, #tpu.memory_space<hbm>>
      tpu.enqueue_dma source(%arg8 : memref<16xi32, #tpu.memory_space<vmem>>) target(%dma_start3A_20 : memref<16xi32, #tpu.memory_space<hbm>>) target_semaphore(%run_scoped3A : memref<!tpu.dma_semaphore, #tpu.memory_space<semaphore_mem>>)
      %dma_wait3A = tpu.memref_slice %arg5[%mul3A_19] : memref<512xi32, #tpu.memory_space<hbm>> -> memref<16xi32, #tpu.memory_space<hbm>>
      %dma_wait3A_21 = tpu.memref_slice %arg5[%mul3A_19] : memref<512xi32, #tpu.memory_space<hbm>> -> memref<16xi32, #tpu.memory_space<hbm>>
      tpu.wait_dma2 semaphore(%run_scoped3A : memref<!tpu.dma_semaphore, #tpu.memory_space<semaphore_mem>>) src(%arg8 : memref<16xi32, #tpu.memory_space<vmem>>) dst(%dma_wait3A_21 : memref<16xi32, #tpu.memory_space<hbm>>)
      tpu.yield
    }) : () -> ()
    return
  }
}

module attributes {stable_mosaic.version = 14 : i64} {
  func.func @_stage2_kernel(%arg0: i32, %arg1: memref<512x256xf32, #tpu.memory_space<vmem>>, %arg2: memref<256x256xf32, #tpu.memory_space<vmem>>, %arg3: memref<1x256xf32, #tpu.memory_space<vmem>>, %arg4: memref<256x256xf32, #tpu.memory_space<vmem>>, %arg5: memref<256x256xf32, #tpu.memory_space<vmem>>, %arg6: memref<1x256xf32, #tpu.memory_space<vmem>>, %arg7: memref<1x256xf32, #tpu.memory_space<vmem>>, %arg8: memref<1x1xf32, #tpu.memory_space<vmem>>, %arg9: memref<128x512xf32, #tpu.memory_space<vmem>>, %arg10: memref<128x512xf32, #tpu.memory_space<vmem>>, %arg11: memref<128x512xf32, #tpu.memory_space<vmem>>, %arg12: memref<512x256xf32, #tpu.memory_space<vmem>>, %arg13: memref<512x256xf32, #tpu.memory_space<vmem>>) attributes {dimension_semantics = [#tpu.dimension_semantics<arbitrary>], iteration_bounds = array<i64: 4>, scalar_prefetch = 0 : i64, scratch_operands = 2 : i64, tpu.core_type = #tpu.core_type<tc>, window_params = [{pipeline_mode = #tpu.pipeline_mode<synchronous>, transform_indices = @transform_0, window_bounds = array<i64: 512, 256>}, {pipeline_mode = #tpu.pipeline_mode<synchronous>, transform_indices = @transform_1, window_bounds = array<i64: 256, 256>}, {pipeline_mode = #tpu.pipeline_mode<synchronous>, transform_indices = @transform_2, window_bounds = array<i64: 1, 256>}, {pipeline_mode = #tpu.pipeline_mode<synchronous>, transform_indices = @transform_3, window_bounds = array<i64: 256, 256>}, {pipeline_mode = #tpu.pipeline_mode<synchronous>, transform_indices = @transform_4, window_bounds = array<i64: 256, 256>}, {pipeline_mode = #tpu.pipeline_mode<synchronous>, transform_indices = @transform_5, window_bounds = array<i64: 1, 256>}, {pipeline_mode = #tpu.pipeline_mode<synchronous>, transform_indices = @transform_6, window_bounds = array<i64: 1, 256>}, {pipeline_mode = #tpu.pipeline_mode<synchronous>, transform_indices = @transform_7, window_bounds = array<i64: 1, 1>}, {transform_indices = @transform_8, window_bounds = array<i64: 128, 512>}, {transform_indices = @transform_9, window_bounds = array<i64: 128, 512>}, {transform_indices = @transform_10, window_bounds = array<i64: 128, 512>}]} {
    %eq3A = arith.constant 0 : i32
    %eq3A_0 = arith.cmpi eq, %arg0, %eq3A : i32
    %convert_element_type3A = arith.extui %eq3A_0 : i1 to i32
    %cond3A = arith.constant 0 : i32
    %cond3A_1 = arith.cmpi ne, %convert_element_type3A, %cond3A : i32
    scf.if %cond3A_1 {
      %get3A_59 = arith.constant 0 : index
      %get3A_60 = arith.constant 0 : index
      %get3A_61 = vector.load %arg1[%get3A_59, %get3A_60] : memref<512x256xf32, #tpu.memory_space<vmem>>, vector<512x256xf32>
      %get3A_62 = arith.constant 0 : index
      %get3A_63 = arith.constant 0 : index
      %get3A_64 = vector.load %arg2[%get3A_62, %get3A_63] : memref<256x256xf32, #tpu.memory_space<vmem>>, vector<256x256xf32>
      %dot_general3A_65 = arith.constant dense<0.000000e+00> : vector<512x256xf32>
      %dot_general3A_66 = tpu.matmul %get3A_61, %get3A_64, %dot_general3A_65 {dimension_numbers = #tpu.dot_dimension_numbers<[1], [0], [0], [1], [0, 0, 1, 1], [], []>, transpose_lhs_hint = false} : vector<512x256xf32>, vector<256x256xf32>, vector<512x256xf32> -> vector<512x256xf32>
      %get3A_67 = arith.constant 0 : index
      %get3A_68 = arith.constant 0 : index
      %get3A_69 = vector.load %arg3[%get3A_67, %get3A_68] : memref<1x256xf32, #tpu.memory_space<vmem>>, vector<1x256xf32>
      %add3A_70 = vector.broadcast %get3A_69 : vector<1x256xf32> to vector<512x256xf32>
      %add3A_71 = arith.addf %dot_general3A_66, %add3A_70 : vector<512x256xf32>
      %mul3A_72 = arith.constant 0.00999999977 : f32
      %mul3A_73 = vector.broadcast %mul3A_72 : f32 to vector<512x256xf32>
      %mul3A_74 = arith.mulf %mul3A_73, %add3A_71 : vector<512x256xf32>
      %max3A_75 = arith.maximumf %add3A_71, %mul3A_74 : vector<512x256xf32>
      %get3A_76 = arith.constant 0 : index
      %get3A_77 = arith.constant 0 : index
      %get3A_78 = vector.load %arg4[%get3A_76, %get3A_77] : memref<256x256xf32, #tpu.memory_space<vmem>>, vector<256x256xf32>
      %dot_general3A_79 = arith.constant dense<0.000000e+00> : vector<512x256xf32>
      %dot_general3A_80 = tpu.matmul %max3A_75, %get3A_78, %dot_general3A_79 {dimension_numbers = #tpu.dot_dimension_numbers<[1], [0], [0], [1], [0, 0, 1, 1], [], []>, transpose_lhs_hint = false} : vector<512x256xf32>, vector<256x256xf32>, vector<512x256xf32> -> vector<512x256xf32>
      %swap3A_81 = arith.constant 0 : index
      %swap3A_82 = arith.constant 0 : index
      %swap3A_83 = vector.load %arg12[%swap3A_81, %swap3A_82] : memref<512x256xf32, #tpu.memory_space<vmem>>, vector<512x256xf32>
      tpu.vector_store %arg12[%swap3A_81, %swap3A_82], %dot_general3A_80 {strides = array<i32>} : memref<512x256xf32, #tpu.memory_space<vmem>>, vector<512x256xf32>,
      %get3A_84 = arith.constant 0 : index
      %get3A_85 = arith.constant 0 : index
      %get3A_86 = vector.load %arg5[%get3A_84, %get3A_85] : memref<256x256xf32, #tpu.memory_space<vmem>>, vector<256x256xf32>
      %dot_general3A_87 = arith.constant dense<0.000000e+00> : vector<512x256xf32>
      %dot_general3A_88 = tpu.matmul %max3A_75, %get3A_86, %dot_general3A_87 {dimension_numbers = #tpu.dot_dimension_numbers<[1], [0], [0], [1], [0, 0, 1, 1], [], []>, transpose_lhs_hint = false} : vector<512x256xf32>, vector<256x256xf32>, vector<512x256xf32> -> vector<512x256xf32>
      %get3A_89 = arith.constant 0 : index
      %get3A_90 = arith.constant 0 : index
      %get3A_91 = vector.load %arg6[%get3A_89, %get3A_90] : memref<1x256xf32, #tpu.memory_space<vmem>>, vector<1x256xf32>
      %add3A_92 = vector.broadcast %get3A_91 : vector<1x256xf32> to vector<512x256xf32>
      %add3A_93 = arith.addf %dot_general3A_88, %add3A_92 : vector<512x256xf32>
      %swap3A_94 = arith.constant 0 : index
      %swap3A_95 = arith.constant 0 : index
      %swap3A_96 = vector.load %arg13[%swap3A_94, %swap3A_95] : memref<512x256xf32, #tpu.memory_space<vmem>>, vector<512x256xf32>
      tpu.vector_store %arg13[%swap3A_94, %swap3A_95], %add3A_93 {strides = array<i32>} : memref<512x256xf32, #tpu.memory_space<vmem>>, vector<512x256xf32>,
    } else {
    }
    %mul3A = arith.constant 128 : i32
    %mul3A_2 = arith.muli %arg0, %mul3A : i32
    %get3A = arith.index_cast %mul3A_2 : i32 to index
    %get3A_3 = arith.constant 0 : index
    %get3A_4 = vector.load %arg12[%get3A, %get3A_3] : memref<512x256xf32, #tpu.memory_space<vmem>>, vector<128x256xf32>
    %get3A_5 = arith.constant 0 : index
    %get3A_6 = arith.constant 0 : index
    %get3A_7 = vector.load %arg7[%get3A_5, %get3A_6] : memref<1x256xf32, #tpu.memory_space<vmem>>, vector<1x256xf32>
    %get3A_8 = arith.constant 0 : index
    %get3A_9 = arith.constant 0 : index
    %get3A_10 = vector.load %arg13[%get3A_8, %get3A_9] : memref<512x256xf32, #tpu.memory_space<vmem>>, vector<256x256xf32>
    %broadcast_in_dim3A = vector.shape_cast %get3A_4 : vector<128x256xf32> to vector<128x1x256xf32>
    %broadcast_in_dim3A_11 = vector.shape_cast %get3A_10 : vector<256x256xf32> to vector<1x256x256xf32>
    %add3A = vector.broadcast %broadcast_in_dim3A : vector<128x1x256xf32> to vector<128x256x256xf32>
    %add3A_12 = vector.broadcast %broadcast_in_dim3A_11 : vector<1x256x256xf32> to vector<128x256x256xf32>
    %add3A_13 = arith.addf %add3A, %add3A_12 : vector<128x256x256xf32>
    %mul3A_14 = arith.constant 0.00999999977 : f32
    %mul3A_15 = vector.broadcast %mul3A_14 : f32 to vector<128x256x256xf32>
    %mul3A_16 = arith.mulf %mul3A_15, %add3A_13 : vector<128x256x256xf32>
    %max3A = arith.maximumf %add3A_13, %mul3A_16 : vector<128x256x256xf32>
    %reshape3A = vector.shape_cast %max3A : vector<128x256x256xf32> to vector<32768x256xf32>
    %reshape3A_17 = vector.shape_cast %get3A_7 : vector<1x256xf32> to vector<256x1xf32>
    %dot_general3A = arith.constant dense<0.000000e+00> : vector<32768x1xf32>
    %dot_general3A_18 = tpu.matmul %reshape3A, %reshape3A_17, %dot_general3A {dimension_numbers = #tpu.dot_dimension_numbers<[1], [0], [0], [1], [0, 0, 1, 1], [], []>, transpose_lhs_hint = false} : vector<32768x256xf32>, vector<256x1xf32>, vector<32768x1xf32> -> vector<32768x1xf32>
    %reshape3A_19 = vector.shape_cast %dot_general3A_18 : vector<32768x1xf32> to vector<128x256xf32>
    %get3A_20 = arith.constant 256 : index
    %get3A_21 = arith.constant 0 : index
    %get3A_22 = vector.load %arg13[%get3A_20, %get3A_21] : memref<512x256xf32, #tpu.memory_space<vmem>>, vector<256x256xf32>
    %broadcast_in_dim3A_23 = vector.shape_cast %get3A_4 : vector<128x256xf32> to vector<128x1x256xf32>
    %broadcast_in_dim3A_24 = vector.shape_cast %get3A_22 : vector<256x256xf32> to vector<1x256x256xf32>
    %add3A_25 = vector.broadcast %broadcast_in_dim3A_23 : vector<128x1x256xf32> to vector<128x256x256xf32>
    %add3A_26 = vector.broadcast %broadcast_in_dim3A_24 : vector<1x256x256xf32> to vector<128x256x256xf32>
    %add3A_27 = arith.addf %add3A_25, %add3A_26 : vector<128x256x256xf32>
    %mul3A_28 = arith.constant 0.00999999977 : f32
    %mul3A_29 = vector.broadcast %mul3A_28 : f32 to vector<128x256x256xf32>
    %mul3A_30 = arith.mulf %mul3A_29, %add3A_27 : vector<128x256x256xf32>
    %max3A_31 = arith.maximumf %add3A_27, %mul3A_30 : vector<128x256x256xf32>
    %reshape3A_32 = vector.shape_cast %max3A_31 : vector<128x256x256xf32> to vector<32768x256xf32>
    %reshape3A_33 = vector.shape_cast %get3A_7 : vector<1x256xf32> to vector<256x1xf32>
    %dot_general3A_34 = arith.constant dense<0.000000e+00> : vector<32768x1xf32>
    %dot_general3A_35 = tpu.matmul %reshape3A_32, %reshape3A_33, %dot_general3A_34 {dimension_numbers = #tpu.dot_dimension_numbers<[1], [0], [0], [1], [0, 0, 1, 1], [], []>, transpose_lhs_hint = false} : vector<32768x256xf32>, vector<256x1xf32>, vector<32768x1xf32> -> vector<32768x1xf32>
    %reshape3A_36 = vector.shape_cast %dot_general3A_35 : vector<32768x1xf32> to vector<128x256xf32>
    %concatenate3A = tpu.concatenate %reshape3A_19, %reshape3A_36 in 1 : vector<128x256xf32>, vector<128x256xf32> -> vector<128x512xf32>
    %get3A_37 = arith.constant 0 : index
    %get3A_38 = arith.constant 0 : index
    %get3A_39 = vector.load %arg9[%get3A_37, %get3A_38] : memref<128x512xf32, #tpu.memory_space<vmem>>, vector<128x512xf32>
    %add3A_40 = arith.addf %concatenate3A, %get3A_39 : vector<128x512xf32>
    %get3A_41 = arith.constant 0 : index
    %get3A_42 = arith.constant 0 : index
    %get3A_43 = vector.load %arg8[%get3A_41, %get3A_42] : memref<1x1xf32, #tpu.memory_space<vmem>>, vector<1x1xf32>
    %add3A_44 = vector.broadcast %get3A_43 : vector<1x1xf32> to vector<128x512xf32>
    %add3A_45 = arith.addf %add3A_40, %add3A_44 : vector<128x512xf32>
    %iota3A = tpu.iota {dimensions = array<i32: 1>} : vector<128x512xi32>
    %mul3A_46 = arith.constant 128 : i32
    %mul3A_47 = arith.muli %arg0, %mul3A_46 : i32
    %iota3A_48 = tpu.iota {dimensions = array<i32: 0>} : vector<128x512xi32>
    %add3A_49 = vector.broadcast %mul3A_47 : i32 to vector<128x512xi32>
    %add3A_50 = arith.addi %add3A_49, %iota3A_48 : vector<128x512xi32>
    %eq3A_51 = arith.cmpi eq, %iota3A, %add3A_50 : vector<128x512xi32>
    %jit3A = arith.constant 0xFF800000 : f32
    %broadcast_in_dim3A_52 = vector.broadcast %jit3A : f32 to vector<128x512xf32>
    %select_n3A = arith.select %eq3A_51, %broadcast_in_dim3A_52, %add3A_45 : vector<128x512xi1>, vector<128x512xf32>
    %get3A_53 = arith.constant 0 : index
    %get3A_54 = arith.constant 0 : index
    %get3A_55 = vector.load %arg10[%get3A_53, %get3A_54] : memref<128x512xf32, #tpu.memory_space<vmem>>, vector<128x512xf32>
    %add3A_56 = arith.addf %select_n3A, %get3A_55 : vector<128x512xf32>
    %swap3A = arith.constant 0 : index
    %swap3A_57 = arith.constant 0 : index
    %swap3A_58 = vector.load %arg11[%swap3A, %swap3A_57] : memref<128x512xf32, #tpu.memory_space<vmem>>, vector<128x512xf32>
    tpu.vector_store %arg11[%swap3A, %swap3A_57], %add3A_56 {strides = array<i32>} : memref<128x512xf32, #tpu.memory_space<vmem>>, vector<128x512xf32>,
    return
  }
  func.func @transform_0(%arg0: i32) -> (i32, i32) {
    %c0_i32 = arith.constant 0 : i32
    %c0_i32_0 = arith.constant 0 : i32
    %c0_i32_1 = arith.constant 0 : i32
    return %c0_i32, %c0_i32_0 : i32, i32
  }
  func.func @transform_1(%arg0: i32) -> (i32, i32) {
    %c0_i32 = arith.constant 0 : i32
    %c0_i32_0 = arith.constant 0 : i32
    %c0_i32_1 = arith.constant 0 : i32
    return %c0_i32, %c0_i32_0 : i32, i32
  }
  func.func @transform_2(%arg0: i32) -> (i32, i32) {
    %c0_i32 = arith.constant 0 : i32
    %c0_i32_0 = arith.constant 0 : i32
    %c0_i32_1 = arith.constant 0 : i32
    return %c0_i32, %c0_i32_0 : i32, i32
  }
  func.func @transform_3(%arg0: i32) -> (i32, i32) {
    %c0_i32 = arith.constant 0 : i32
    %c0_i32_0 = arith.constant 0 : i32
    %c0_i32_1 = arith.constant 0 : i32
    return %c0_i32, %c0_i32_0 : i32, i32
  }
  func.func @transform_4(%arg0: i32) -> (i32, i32) {
    %c0_i32 = arith.constant 0 : i32
    %c0_i32_0 = arith.constant 0 : i32
    %c0_i32_1 = arith.constant 0 : i32
    return %c0_i32, %c0_i32_0 : i32, i32
  }
  func.func @transform_5(%arg0: i32) -> (i32, i32) {
    %c0_i32 = arith.constant 0 : i32
    %c0_i32_0 = arith.constant 0 : i32
    %c0_i32_1 = arith.constant 0 : i32
    return %c0_i32, %c0_i32_0 : i32, i32
  }
  func.func @transform_6(%arg0: i32) -> (i32, i32) {
    %c0_i32 = arith.constant 0 : i32
    %c0_i32_0 = arith.constant 0 : i32
    %c0_i32_1 = arith.constant 0 : i32
    return %c0_i32, %c0_i32_0 : i32, i32
  }
  func.func @transform_7(%arg0: i32) -> (i32, i32) {
    %c0_i32 = arith.constant 0 : i32
    %c0_i32_0 = arith.constant 0 : i32
    %c0_i32_1 = arith.constant 0 : i32
    return %c0_i32, %c0_i32_0 : i32, i32
  }
  func.func @transform_8(%arg0: i32) -> (i32, i32) {
    %c0_i32 = arith.constant 0 : i32
    %c0_i32_0 = arith.constant 0 : i32
    return %arg0, %c0_i32 : i32, i32
  }
  func.func @transform_9(%arg0: i32) -> (i32, i32) {
    %c0_i32 = arith.constant 0 : i32
    %c0_i32_0 = arith.constant 0 : i32
    return %arg0, %c0_i32 : i32, i32
  }
  func.func @transform_10(%arg0: i32) -> (i32, i32) {
    %c0_i32 = arith.constant 0 : i32
    %c0_i32_0 = arith.constant 0 : i32
    return %arg0, %c0_i32 : i32, i32
  }
}

module attributes {stable_mosaic.version = 14 : i64} {
  func.func @_stage1_kernel(%arg0: i32, %arg1: memref<512x256xf32, #tpu.memory_space<vmem>>, %arg2: memref<256x256xf32, #tpu.memory_space<vmem>>, %arg3: memref<1x256xf32, #tpu.memory_space<vmem>>, %arg4: memref<256x256xf32, #tpu.memory_space<vmem>>, %arg5: memref<256x256xf32, #tpu.memory_space<vmem>>, %arg6: memref<1x256xf32, #tpu.memory_space<vmem>>, %arg7: memref<1x256xf32, #tpu.memory_space<vmem>>, %arg8: memref<128x256xf32, #tpu.memory_space<vmem>>, %arg9: memref<128x512xf32, #tpu.memory_space<vmem>>, %arg10: memref<512x256xf32, #tpu.memory_space<vmem>>, %arg11: memref<512x256xf32, #tpu.memory_space<vmem>>) attributes {dimension_semantics = [#tpu.dimension_semantics<arbitrary>], iteration_bounds = array<i64: 4>, scalar_prefetch = 0 : i64, scratch_operands = 2 : i64, tpu.core_type = #tpu.core_type<tc>, window_params = [{pipeline_mode = #tpu.pipeline_mode<synchronous>, transform_indices = @transform_0, window_bounds = array<i64: 512, 256>}, {pipeline_mode = #tpu.pipeline_mode<synchronous>, transform_indices = @transform_1, window_bounds = array<i64: 256, 256>}, {pipeline_mode = #tpu.pipeline_mode<synchronous>, transform_indices = @transform_2, window_bounds = array<i64: 1, 256>}, {pipeline_mode = #tpu.pipeline_mode<synchronous>, transform_indices = @transform_3, window_bounds = array<i64: 256, 256>}, {pipeline_mode = #tpu.pipeline_mode<synchronous>, transform_indices = @transform_4, window_bounds = array<i64: 256, 256>}, {pipeline_mode = #tpu.pipeline_mode<synchronous>, transform_indices = @transform_5, window_bounds = array<i64: 1, 256>}, {pipeline_mode = #tpu.pipeline_mode<synchronous>, transform_indices = @transform_6, window_bounds = array<i64: 1, 256>}, {transform_indices = @transform_7, window_bounds = array<i64: 128, 256>}, {transform_indices = @transform_8, window_bounds = array<i64: 128, 512>}]} {
    %eq3A = arith.constant 0 : i32
    %eq3A_0 = arith.cmpi eq, %arg0, %eq3A : i32
    %convert_element_type3A = arith.extui %eq3A_0 : i1 to i32
    %cond3A = arith.constant 0 : i32
    %cond3A_1 = arith.cmpi ne, %convert_element_type3A, %cond3A : i32
    scf.if %cond3A_1 {
      %get3A_65 = arith.constant 0 : index
      %get3A_66 = arith.constant 0 : index
      %get3A_67 = vector.load %arg1[%get3A_65, %get3A_66] : memref<512x256xf32, #tpu.memory_space<vmem>>, vector<512x256xf32>
      %get3A_68 = arith.constant 0 : index
      %get3A_69 = arith.constant 0 : index
      %get3A_70 = vector.load %arg2[%get3A_68, %get3A_69] : memref<256x256xf32, #tpu.memory_space<vmem>>, vector<256x256xf32>
      %dot_general3A_71 = arith.constant dense<0.000000e+00> : vector<512x256xf32>
      %dot_general3A_72 = tpu.matmul %get3A_67, %get3A_70, %dot_general3A_71 {dimension_numbers = #tpu.dot_dimension_numbers<[1], [0], [0], [1], [0, 0, 1, 1], [], []>, transpose_lhs_hint = false} : vector<512x256xf32>, vector<256x256xf32>, vector<512x256xf32> -> vector<512x256xf32>
      %get3A_73 = arith.constant 0 : index
      %get3A_74 = arith.constant 0 : index
      %get3A_75 = vector.load %arg3[%get3A_73, %get3A_74] : memref<1x256xf32, #tpu.memory_space<vmem>>, vector<1x256xf32>
      %add3A_76 = vector.broadcast %get3A_75 : vector<1x256xf32> to vector<512x256xf32>
      %add3A_77 = arith.addf %dot_general3A_72, %add3A_76 : vector<512x256xf32>
      %get3A_78 = arith.constant 0 : index
      %get3A_79 = arith.constant 0 : index
      %get3A_80 = vector.load %arg4[%get3A_78, %get3A_79] : memref<256x256xf32, #tpu.memory_space<vmem>>, vector<256x256xf32>
      %dot_general3A_81 = arith.constant dense<0.000000e+00> : vector<512x256xf32>
      %dot_general3A_82 = tpu.matmul %add3A_77, %get3A_80, %dot_general3A_81 {dimension_numbers = #tpu.dot_dimension_numbers<[1], [0], [0], [1], [0, 0, 1, 1], [], []>, transpose_lhs_hint = false} : vector<512x256xf32>, vector<256x256xf32>, vector<512x256xf32> -> vector<512x256xf32>
      %swap3A_83 = arith.constant 0 : index
      %swap3A_84 = arith.constant 0 : index
      %swap3A_85 = vector.load %arg10[%swap3A_83, %swap3A_84] : memref<512x256xf32, #tpu.memory_space<vmem>>, vector<512x256xf32>
      tpu.vector_store %arg10[%swap3A_83, %swap3A_84], %dot_general3A_82 {strides = array<i32>} : memref<512x256xf32, #tpu.memory_space<vmem>>, vector<512x256xf32>,
      %get3A_86 = arith.constant 0 : index
      %get3A_87 = arith.constant 0 : index
      %get3A_88 = vector.load %arg5[%get3A_86, %get3A_87] : memref<256x256xf32, #tpu.memory_space<vmem>>, vector<256x256xf32>
      %dot_general3A_89 = arith.constant dense<0.000000e+00> : vector<512x256xf32>
      %dot_general3A_90 = tpu.matmul %add3A_77, %get3A_88, %dot_general3A_89 {dimension_numbers = #tpu.dot_dimension_numbers<[1], [0], [0], [1], [0, 0, 1, 1], [], []>, transpose_lhs_hint = false} : vector<512x256xf32>, vector<256x256xf32>, vector<512x256xf32> -> vector<512x256xf32>
      %get3A_91 = arith.constant 0 : index
      %get3A_92 = arith.constant 0 : index
      %get3A_93 = vector.load %arg6[%get3A_91, %get3A_92] : memref<1x256xf32, #tpu.memory_space<vmem>>, vector<1x256xf32>
      %add3A_94 = vector.broadcast %get3A_93 : vector<1x256xf32> to vector<512x256xf32>
      %add3A_95 = arith.addf %dot_general3A_90, %add3A_94 : vector<512x256xf32>
      %swap3A_96 = arith.constant 0 : index
      %swap3A_97 = arith.constant 0 : index
      %swap3A_98 = vector.load %arg11[%swap3A_96, %swap3A_97] : memref<512x256xf32, #tpu.memory_space<vmem>>, vector<512x256xf32>
      tpu.vector_store %arg11[%swap3A_96, %swap3A_97], %add3A_95 {strides = array<i32>} : memref<512x256xf32, #tpu.memory_space<vmem>>, vector<512x256xf32>,
    } else {
    }
    %mul3A = arith.constant 128 : i32
    %mul3A_2 = arith.muli %arg0, %mul3A : i32
    %get3A = arith.index_cast %mul3A_2 : i32 to index
    %get3A_3 = arith.constant 0 : index
    %get3A_4 = vector.load %arg10[%get3A, %get3A_3] : memref<512x256xf32, #tpu.memory_space<vmem>>, vector<128x256xf32>
    %get3A_5 = arith.constant 0 : index
    %get3A_6 = arith.constant 0 : index
    %get3A_7 = vector.load %arg7[%get3A_5, %get3A_6] : memref<1x256xf32, #tpu.memory_space<vmem>>, vector<1x256xf32>
    %broadcast_in_dim3A = arith.constant 0.000000e+00 : f32
    %broadcast_in_dim3A_8 = vector.broadcast %broadcast_in_dim3A : f32 to vector<128x256xf32>
    %get3A_9 = arith.constant 0 : index
    %get3A_10 = arith.constant 0 : index
    %get3A_11 = vector.load %arg11[%get3A_9, %get3A_10] : memref<512x256xf32, #tpu.memory_space<vmem>>, vector<256x256xf32>
    %broadcast_in_dim3A_12 = vector.shape_cast %get3A_4 : vector<128x256xf32> to vector<128x1x256xf32>
    %broadcast_in_dim3A_13 = vector.shape_cast %get3A_11 : vector<256x256xf32> to vector<1x256x256xf32>
    %add3A = vector.broadcast %broadcast_in_dim3A_12 : vector<128x1x256xf32> to vector<128x256x256xf32>
    %add3A_14 = vector.broadcast %broadcast_in_dim3A_13 : vector<1x256x256xf32> to vector<128x256x256xf32>
    %add3A_15 = arith.addf %add3A, %add3A_14 : vector<128x256x256xf32>
    %mul3A_16 = arith.constant 0.00999999977 : f32
    %mul3A_17 = vector.broadcast %mul3A_16 : f32 to vector<128x256x256xf32>
    %mul3A_18 = arith.mulf %mul3A_17, %add3A_15 : vector<128x256x256xf32>
    %max3A = arith.maximumf %add3A_15, %mul3A_18 : vector<128x256x256xf32>
    %reduce_sum3A = arith.constant dense<0.000000e+00> : vector<128x256xf32>
    %reduce_sum3A_19 = vector.multi_reduction <add>, %max3A, %reduce_sum3A [1] : vector<128x256x256xf32> to vector<128x256xf32>
    %add3A_20 = arith.addf %broadcast_in_dim3A_8, %reduce_sum3A_19 : vector<128x256xf32>
    %reshape3A = vector.shape_cast %max3A : vector<128x256x256xf32> to vector<32768x256xf32>
    %reshape3A_21 = vector.shape_cast %get3A_7 : vector<1x256xf32> to vector<256x1xf32>
    %dot_general3A = arith.constant dense<0.000000e+00> : vector<32768x1xf32>
    %dot_general3A_22 = tpu.matmul %reshape3A, %reshape3A_21, %dot_general3A {dimension_numbers = #tpu.dot_dimension_numbers<[1], [0], [0], [1], [0, 0, 1, 1], [], []>, transpose_lhs_hint = false} : vector<32768x256xf32>, vector<256x1xf32>, vector<32768x1xf32> -> vector<32768x1xf32>
    %reshape3A_23 = vector.shape_cast %dot_general3A_22 : vector<32768x1xf32> to vector<128x256xf32>
    %swap3A = arith.constant 0 : index
    %swap3A_24 = arith.constant 0 : index
    %swap3A_25 = vector.load %arg9[%swap3A, %swap3A_24] : memref<128x512xf32, #tpu.memory_space<vmem>>, vector<128x256xf32>
    tpu.vector_store %arg9[%swap3A, %swap3A_24], %reshape3A_23 {strides = array<i32>} : memref<128x512xf32, #tpu.memory_space<vmem>>, vector<128x256xf32>,
    %get3A_26 = arith.constant 256 : index
    %get3A_27 = arith.constant 0 : index
    %get3A_28 = vector.load %arg11[%get3A_26, %get3A_27] : memref<512x256xf32, #tpu.memory_space<vmem>>, vector<256x256xf32>
    %broadcast_in_dim3A_29 = vector.shape_cast %get3A_4 : vector<128x256xf32> to vector<128x1x256xf32>
    %broadcast_in_dim3A_30 = vector.shape_cast %get3A_28 : vector<256x256xf32> to vector<1x256x256xf32>
    %add3A_31 = vector.broadcast %broadcast_in_dim3A_29 : vector<128x1x256xf32> to vector<128x256x256xf32>
    %add3A_32 = vector.broadcast %broadcast_in_dim3A_30 : vector<1x256x256xf32> to vector<128x256x256xf32>
    %add3A_33 = arith.addf %add3A_31, %add3A_32 : vector<128x256x256xf32>
    %mul3A_34 = arith.constant 0.00999999977 : f32
    %mul3A_35 = vector.broadcast %mul3A_34 : f32 to vector<128x256x256xf32>
    %mul3A_36 = arith.mulf %mul3A_35, %add3A_33 : vector<128x256x256xf32>
    %max3A_37 = arith.maximumf %add3A_33, %mul3A_36 : vector<128x256x256xf32>
    %reduce_sum3A_38 = arith.constant dense<0.000000e+00> : vector<128x256xf32>
    %reduce_sum3A_39 = vector.multi_reduction <add>, %max3A_37, %reduce_sum3A_38 [1] : vector<128x256x256xf32> to vector<128x256xf32>
    %add3A_40 = arith.addf %add3A_20, %reduce_sum3A_39 : vector<128x256xf32>
    %reshape3A_41 = vector.shape_cast %max3A_37 : vector<128x256x256xf32> to vector<32768x256xf32>
    %reshape3A_42 = vector.shape_cast %get3A_7 : vector<1x256xf32> to vector<256x1xf32>
    %dot_general3A_43 = arith.constant dense<0.000000e+00> : vector<32768x1xf32>
    %dot_general3A_44 = tpu.matmul %reshape3A_41, %reshape3A_42, %dot_general3A_43 {dimension_numbers = #tpu.dot_dimension_numbers<[1], [0], [0], [1], [0, 0, 1, 1], [], []>, transpose_lhs_hint = false} : vector<32768x256xf32>, vector<256x1xf32>, vector<32768x1xf32> -> vector<32768x1xf32>
    %reshape3A_45 = vector.shape_cast %dot_general3A_44 : vector<32768x1xf32> to vector<128x256xf32>
    %swap3A_46 = arith.constant 0 : index
    %swap3A_47 = arith.constant 256 : index
    %swap3A_48 = vector.load %arg9[%swap3A_46, %swap3A_47] : memref<128x512xf32, #tpu.memory_space<vmem>>, vector<128x256xf32>
    tpu.vector_store %arg9[%swap3A_46, %swap3A_47], %reshape3A_45 {strides = array<i32>} : memref<128x512xf32, #tpu.memory_space<vmem>>, vector<128x256xf32>,
    %mul3A_49 = arith.constant 128 : i32
    %mul3A_50 = arith.muli %arg0, %mul3A_49 : i32
    %get3A_51 = arith.index_cast %mul3A_50 : i32 to index
    %get3A_52 = arith.constant 0 : index
    %get3A_53 = vector.load %arg11[%get3A_51, %get3A_52] : memref<512x256xf32, #tpu.memory_space<vmem>>, vector<128x256xf32>
    %add3A_54 = arith.addf %get3A_4, %get3A_53 : vector<128x256xf32>
    %mul3A_55 = arith.constant 0.00999999977 : f32
    %mul3A_56 = vector.broadcast %mul3A_55 : f32 to vector<128x256xf32>
    %mul3A_57 = arith.mulf %mul3A_56, %add3A_54 : vector<128x256xf32>
    %max3A_58 = arith.maximumf %add3A_54, %mul3A_57 : vector<128x256xf32>
    %sub3A = arith.subf %add3A_40, %max3A_58 : vector<128x256xf32>
    %mul3A_59 = arith.constant 0.00195694715 : f32
    %mul3A_60 = vector.broadcast %mul3A_59 : f32 to vector<128x256xf32>
    %mul3A_61 = arith.mulf %sub3A, %mul3A_60 : vector<128x256xf32>
    %swap3A_62 = arith.constant 0 : index
    %swap3A_63 = arith.constant 0 : index
    %swap3A_64 = vector.load %arg8[%swap3A_62, %swap3A_63] : memref<128x256xf32, #tpu.memory_space<vmem>>, vector<128x256xf32>
    tpu.vector_store %arg8[%swap3A_62, %swap3A_63], %mul3A_61 {strides = array<i32>} : memref<128x256xf32, #tpu.memory_space<vmem>>, vector<128x256xf32>,
    return
  }
  func.func @transform_0(%arg0: i32) -> (i32, i32) {
    %c0_i32 = arith.constant 0 : i32
    %c0_i32_0 = arith.constant 0 : i32
    %c0_i32_1 = arith.constant 0 : i32
    return %c0_i32, %c0_i32_0 : i32, i32
  }
  func.func @transform_1(%arg0: i32) -> (i32, i32) {
    %c0_i32 = arith.constant 0 : i32
    %c0_i32_0 = arith.constant 0 : i32
    %c0_i32_1 = arith.constant 0 : i32
    return %c0_i32, %c0_i32_0 : i32, i32
  }
  func.func @transform_2(%arg0: i32) -> (i32, i32) {
    %c0_i32 = arith.constant 0 : i32
    %c0_i32_0 = arith.constant 0 : i32
    %c0_i32_1 = arith.constant 0 : i32
    return %c0_i32, %c0_i32_0 : i32, i32
  }
  func.func @transform_3(%arg0: i32) -> (i32, i32) {
    %c0_i32 = arith.constant 0 : i32
    %c0_i32_0 = arith.constant 0 : i32
    %c0_i32_1 = arith.constant 0 : i32
    return %c0_i32, %c0_i32_0 : i32, i32
  }
  func.func @transform_4(%arg0: i32) -> (i32, i32) {
    %c0_i32 = arith.constant 0 : i32
    %c0_i32_0 = arith.constant 0 : i32
    %c0_i32_1 = arith.constant 0 : i32
    return %c0_i32, %c0_i32_0 : i32, i32
  }
  func.func @transform_5(%arg0: i32) -> (i32, i32) {
    %c0_i32 = arith.constant 0 : i32
    %c0_i32_0 = arith.constant 0 : i32
    %c0_i32_1 = arith.constant 0 : i32
    return %c0_i32, %c0_i32_0 : i32, i32
  }
  func.func @transform_6(%arg0: i32) -> (i32, i32) {
    %c0_i32 = arith.constant 0 : i32
    %c0_i32_0 = arith.constant 0 : i32
    %c0_i32_1 = arith.constant 0 : i32
    return %c0_i32, %c0_i32_0 : i32, i32
  }
  func.func @transform_7(%arg0: i32) -> (i32, i32) {
    %c0_i32 = arith.constant 0 : i32
    %c0_i32_0 = arith.constant 0 : i32
    return %arg0, %c0_i32 : i32, i32
  }
  func.func @transform_8(%arg0: i32) -> (i32, i32) {
    %c0_i32 = arith.constant 0 : i32
    %c0_i32_0 = arith.constant 0 : i32
    return %arg0, %c0_i32 : i32, i32
  }
}

module attributes {stable_mosaic.version = 14 : i64} {
  func.func @_kl_kernel(%arg0: i32, %arg1: memref<64x512xf32, #tpu.memory_space<vmem>>, %arg2: memref<64x512xf32, #tpu.memory_space<vmem>>, %arg3: memref<1x1xf32, #tpu.memory_space<vmem>>) attributes {dimension_semantics = [#tpu.dimension_semantics<arbitrary>], iteration_bounds = array<i64: 8>, scalar_prefetch = 0 : i64, scratch_operands = 0 : i64, tpu.core_type = #tpu.core_type<tc>, window_params = [{transform_indices = @transform_0, window_bounds = array<i64: 64, 512>}, {transform_indices = @transform_1, window_bounds = array<i64: 64, 512>}, {pipeline_mode = #tpu.pipeline_mode<synchronous>, transform_indices = @transform_2, window_bounds = array<i64: 1, 1>}]} {
    %get3A = arith.constant 0 : index
    %get3A_0 = arith.constant 0 : index
    %get3A_1 = vector.load %arg1[%get3A, %get3A_0] : memref<64x512xf32, #tpu.memory_space<vmem>>, vector<64x512xf32>
    %get3A_2 = arith.constant 0 : index
    %get3A_3 = arith.constant 0 : index
    %get3A_4 = vector.load %arg2[%get3A_2, %get3A_3] : memref<64x512xf32, #tpu.memory_space<vmem>>, vector<64x512xf32>
    %sub3A = arith.subf %get3A_1, %get3A_4 : vector<64x512xf32>
    %reduce_max3A = arith.constant dense<0xFF800000> : vector<64xf32>
    %reduce_max3A_5 = vector.multi_reduction <maximumf>, %sub3A, %reduce_max3A [1] : vector<64x512xf32> to vector<64xf32>
    %broadcast_in_dim3A = vector.shape_cast %reduce_max3A_5 : vector<64xf32> to vector<64x1xf32>
    %sub3A_6 = vector.broadcast %broadcast_in_dim3A : vector<64x1xf32> to vector<64x512xf32>
    %sub3A_7 = arith.subf %sub3A, %sub3A_6 : vector<64x512xf32>
    %exp3A = math.exp %sub3A_7 : vector<64x512xf32>
    %max3A = arith.constant -1.000000e+02 : f32
    %max3A_8 = vector.broadcast %max3A : f32 to vector<64x512xf32>
    %max3A_9 = arith.maximumf %sub3A_7, %max3A_8 : vector<64x512xf32>
    %reduce_sum3A = arith.constant dense<0.000000e+00> : vector<64xf32>
    %reduce_sum3A_10 = vector.multi_reduction <add>, %exp3A, %reduce_sum3A [1] : vector<64x512xf32> to vector<64xf32>
    %broadcast_in_dim3A_11 = vector.shape_cast %reduce_sum3A_10 : vector<64xf32> to vector<64x1xf32>
    %mul3A = arith.mulf %exp3A, %max3A_9 : vector<64x512xf32>
    %reduce_sum3A_12 = arith.constant dense<0.000000e+00> : vector<64xf32>
    %reduce_sum3A_13 = vector.multi_reduction <add>, %mul3A, %reduce_sum3A_12 [1] : vector<64x512xf32> to vector<64xf32>
    %broadcast_in_dim3A_14 = vector.shape_cast %reduce_sum3A_13 : vector<64xf32> to vector<64x1xf32>
    %log3A = math.log %broadcast_in_dim3A_11 : vector<64x1xf32>
    %div3A = arith.divf %broadcast_in_dim3A_14, %broadcast_in_dim3A_11 : vector<64x1xf32>
    %sub3A_15 = arith.subf %log3A, %div3A : vector<64x1xf32>
    %reduce_sum3A_16 = vector.shape_cast %sub3A_15 : vector<64x1xf32> to vector<1x64x1xf32>
    %reduce_sum3A_17 = arith.constant dense<0.000000e+00> : vector<1xf32>
    %reduce_sum3A_18 = vector.multi_reduction <add>, %reduce_sum3A_16, %reduce_sum3A_17 [1, 2] : vector<1x64x1xf32> to vector<1xf32>
    %reduce_sum3A_19 = vector.shape_cast %reduce_sum3A_18 : vector<1xf32> to vector<1x1x1xf32>
    %reduce_sum3A_20 = vector.extract %reduce_sum3A_19[0, 0, 0] : f32 from vector<1x1x1xf32>
    %get3A_21 = arith.constant 0 : index
    %get3A_22 = arith.constant 0 : index
    %get3A_23 = vector.load %arg3[%get3A_21, %get3A_22] : memref<1x1xf32, #tpu.memory_space<vmem>>, vector<1x1xf32>
    %eq3A = arith.constant 0 : i32
    %eq3A_24 = arith.cmpi eq, %arg0, %eq3A : i32
    %broadcast_in_dim3A_25 = arith.constant 0.000000e+00 : f32
    %broadcast_in_dim3A_26 = vector.broadcast %broadcast_in_dim3A_25 : f32 to vector<1x1xf32>
    %select_n3A = arith.select %eq3A_24, %broadcast_in_dim3A_26, %get3A_23 : vector<1x1xf32>
    %add3A = vector.broadcast %reduce_sum3A_20 : f32 to vector<1x1xf32>
    %add3A_27 = arith.addf %select_n3A, %add3A : vector<1x1xf32>
    %eq3A_28 = arith.constant 7 : i32
    %eq3A_29 = arith.cmpi eq, %arg0, %eq3A_28 : i32
    %mul3A_30 = arith.constant 3.81469727E-6 : f32
    %mul3A_31 = vector.broadcast %mul3A_30 : f32 to vector<1x1xf32>
    %mul3A_32 = arith.mulf %add3A_27, %mul3A_31 : vector<1x1xf32>
    %select_n3A_33 = arith.select %eq3A_29, %mul3A_32, %add3A_27 : vector<1x1xf32>
    %swap3A = arith.constant 0 : index
    %swap3A_34 = arith.constant 0 : index
    %swap3A_35 = vector.load %arg3[%swap3A, %swap3A_34] : memref<1x1xf32, #tpu.memory_space<vmem>>, vector<1x1xf32>
    tpu.vector_store %arg3[%swap3A, %swap3A_34], %select_n3A_33 {strides = array<i32>} : memref<1x1xf32, #tpu.memory_space<vmem>>, vector<1x1xf32>,
    return
  }
  func.func @transform_0(%arg0: i32) -> (i32, i32) {
    %c0_i32 = arith.constant 0 : i32
    %c0_i32_0 = arith.constant 0 : i32
    return %arg0, %c0_i32 : i32, i32
  }
  func.func @transform_1(%arg0: i32) -> (i32, i32) {
    %c0_i32 = arith.constant 0 : i32
    %c0_i32_0 = arith.constant 0 : i32
    return %arg0, %c0_i32 : i32, i32
  }
  func.func @transform_2(%arg0: i32) -> (i32, i32) {
    %c0_i32 = arith.constant 0 : i32
    %c0_i32_0 = arith.constant 0 : i32
    %c0_i32_1 = arith.constant 0 : i32
    return %c0_i32, %c0_i32_0 : i32, i32
  }
}

</mosaic_0001>

<sc_bundles>
// kernel: kernel.6.cloned.1.call-start
scs
__scs_entry_jumppad:
0x0: {  	(pc) =	sbr.rel $0x88, $3  }
0x1: {  	(tag) =	ssettag $0x0;
	lr =	simm.s32 $0x1  }
0x2: {  	[smem:$0x3F96] =	sst lr;
	_ =	strace $0xD0000000  }
0x3: {  	_ = 	snop  }
0x4: {  	_ = 	snop  }
0x5: {  	_ = 	snop  }
0x6: {  	_ = 	snop  }
0x7: {  	_ = 	snop  }
__scs_overlays_trampoline_lowered:
0x8: {  	[smem:$0x3FA5] =	sst s0  }
0x9: {  	[smem:$0x3FA6] =	sst s1  }
0xa: {  	[smem:$0x3FA7] =	sst s2  }
0xb: {  	[smem:$0x3FA8] =	sst s3  }
0xc: {  	[smem:$0x3FA9] =	sst s4  }
0xd: {  	[smem:$0x3FAA] =	sst s5  }
0xe: {  	[smem:$0x3FAB] =	sst s6  }
0xf: {  	[smem:$0x3FAC] =	sst s7  }
0x10: {  	[smem:$0x3FAD] =	sst s8  }
0x11: {  	[smem:$0x3FAE] =	sst s9;
	s0 =	simm.s32 @!p0 $0x0  }
0x12: {  	s1 =	sld [smem:$0x3F94];
	s0 =	simm.s32 @p0 $0x1  }
0x13: {  	[smem:$0x3FAF] =	sst s0;
	s0 =	simm.s32 @!p1 $0x0  }
0x14: {  	s2 =	sld [smem:$0x3F93];
	s0 =	simm.s32 @p1 $0x1  }
0x15: {  	[smem:$0x3FB0] =	sst s0;
	s0 =	simm.s32 @!p2 $0x0  }
0x16: {  	s3 =	sld [smem:$0x3FDB];
	s0 =	simm.s32 @p2 $0x1  }
0x17: {  	s4 =	simm.s32 $0x1BF5;
	[smem:$0x3FB2] =	sst s0  }
0x18: {  	s0 =	sld [smem:$0x3F95];
	_ =	swait.ge [sflag:s4], $0x0  }
0x19: {  	s7 =	sld [smem:$0x3F96]  }
0x1a: {  	s8 =	sadd.s32 $0xFFFFE003, lr  }
0x1b: {  	s9 =	sadd.s32 $0xFFFFFEF7, lr;
	s5 =	simm.s32 $0xFFFFFFFF;
	p2 =	slt.u32 s8, $0xFFFFF086  }
0x1c: {  	p1 =	slt.u32 s9, $0xF7A;
	s5 =	simm.s32 @!p2 $0x0  }
0x1d: {  	s5 =	simm.s32 @p1 $0x1;
	p0 =	seq.s32 s7, s2  }
0x1e: {  	s7 =	smul.u32 @!p0 $0xF7A, s2;
	p2 =	seq.s32 @!p0 s5, $0x0  }
0x1f: {  	s9 =	smul.u32 $0xF7A, s1;
	s8 =	simm.s32 @!p0 $0x1BF5;
	p2 =	por !p2, p0  }
0x20: {  	[sflag:s8] =	ssyncset.s32 @!p0 $0xFFFFF086;
	s6 =	sadd.s32 @!p0 s3, s7;
	s7 =	simm.s32 @!p0 $0x108  }
0x21: {  	s3 =	sadd.s32 s3, s9;
	s6 =	sadd.s32 @!p0 $0x88, s6;
	s7 =	simm.s32 @p2 $0x1082  }
0x22: {  	[simem:s7], [sflag:s8] =	dma.local @!p0 [hbm:s6], $0xF7A  }
0x23: {  	s9 =	sor.u32 $0xD0000000, s2;
	s6 =	simm.s32 $0x108;
	_ =	swait.ge @!p0 [sflag:s8], $0x0  }
0x24: {  	s3 =	sadd.s32 $0x88, s3;
	s6 =	simm.s32 @!p1 $0x1082;
	[sflag:s4] =	ssyncset.s32 $0xFFFFF086  }
0x25: {  	[simem:s6], [sflag:s4] =	dma.local [hbm:s3], $0xF7A  }
0x26: {  	[smem:$0x3F96] =	sst s1;
	(tag) =	ssettag s2;
	_ =	strace s9  }
0x27: {  	s1 =	sld [smem:$0x3FA6]  }
0x28: {  	s2 =	sld [smem:$0x3FA7]  }
0x29: {  	s4 =	sld [smem:$0x3FA9]  }
0x2a: {  	p0 =	seq.s32 s5, $0x0;
	s5 =	sld [smem:$0x3FAA]  }
0x2b: {  	s6 =	sld [smem:$0x3FAB]  }
0x2c: {  	s7 =	sld [smem:$0x3FAC]  }
0x2d: {  	s3 =	simm.s32 $0x108;
	s8 =	sld [smem:$0x3FAD]  }
0x2e: {  	s3 =	simm.s32 @!p0 $0x1082;
	s9 =	sld [smem:$0x3FAE]  }
0x2f: {  	lr =	sadd.s32 s0, s3;
	s0 =	sld [smem:$0x3FA5]  }
0x30: {  	s3 =	sld [smem:$0x3FA8]  }
0x31: {  	[smem:$0x3FB1] =	sst s10  }
0x32: {  	s10 =	sld [smem:$0x3FAF];
	_ =	sdelay $0x3  }
0x33: {  	p0 =	seq.s32 s10, $0x1;
	s10 =	sld [smem:$0x3FB1];
	_ =	sdelay $0x3  }
0x34: {  	[smem:$0x3FB1] =	sst s10  }
0x35: {  	s10 =	sld [smem:$0x3FB0];
	_ =	sdelay $0x3  }
0x36: {  	p1 =	seq.s32 s10, $0x1;
	s10 =	sld [smem:$0x3FB1];
	_ =	sdelay $0x3  }
0x37: {  	[smem:$0x3FB1] =	sst s10  }
0x38: {  	s10 =	sld [smem:$0x3FB2]  }
0x39: {  	_ = 	snop;
	(pc) =	sbr.ind lr, $3  }
0x3a: {  	_ = 	snop  }
0x3b: {  	_ = 	snop  }
0x3c: {  	p2 =	seq.s32 s10, $0x1;
	s10 =	sld [smem:$0x3FB1]  }
0x3d: {  	_ =	shalt  }
0x3e: {  	_ =	shalt  }
0x3f: {  	_ =	shalt  }
0x40: {  	_ =	shalt  }
0x41: {  	_ =	shalt  }
0x42: {  	_ =	shalt  }
0x43: {  	_ =	shalt  }
0x44: {  	_ =	shalt  }
0x45: {  	_ =	shalt  }
0x46: {  	_ =	shalt  }
0x47: {  	_ =	shalt  }
0x48: {  	_ =	shalt  }
0x49: {  	_ =	shalt  }
0x4a: {  	_ =	shalt  }
0x4b: {  	_ =	shalt  }
0x4c: {  	_ =	shalt  }
0x4d: {  	_ =	shalt  }
0x4e: {  	_ =	shalt  }
0x4f: {  	_ =	shalt  }
0x50: {  	_ =	shalt  }
0x51: {  	_ =	shalt  }
0x52: {  	_ =	shalt  }
0x53: {  	_ =	shalt  }
0x54: {  	_ =	shalt  }
0x55: {  	_ =	shalt  }
0x56: {  	_ =	shalt  }
0x57: {  	_ =	shalt  }
0x58: {  	_ =	shalt  }
0x59: {  	_ =	shalt  }
0x5a: {  	_ =	shalt  }
0x5b: {  	_ =	shalt  }
0x5c: {  	_ =	shalt  }
0x5d: {  	_ =	shalt  }
0x5e: {  	_ =	shalt  }
0x5f: {  	_ =	shalt  }
0x60: {  	_ =	shalt  }
0x61: {  	_ =	shalt  }
0x62: {  	_ =	shalt  }
0x63: {  	_ =	shalt  }
0x64: {  	_ =	shalt  }
0x65: {  	_ =	shalt  }
0x66: {  	_ =	shalt  }
0x67: {  	_ =	shalt  }
0x68: {  	_ =	shalt  }
0x69: {  	_ =	shalt  }
0x6a: {  	_ =	shalt  }
0x6b: {  	_ =	shalt  }
0x6c: {  	_ =	shalt  }
0x6d: {  	_ =	shalt  }
0x6e: {  	_ =	shalt  }
0x6f: {  	_ =	shalt  }
0x70: {  	_ =	shalt  }
0x71: {  	_ =	shalt  }
0x72: {  	_ =	shalt  }
0x73: {  	_ =	shalt  }
0x74: {  	_ =	shalt  }
0x75: {  	_ =	shalt  }
0x76: {  	_ =	shalt  }
0x77: {  	_ =	shalt  }
0x78: {  	_ =	shalt  }
0x79: {  	_ =	shalt  }
0x7a: {  	_ =	shalt  }
0x7b: {  	_ =	shalt  }
0x7c: {  	_ =	shalt  }
0x7d: {  	_ =	shalt  }
0x7e: {  	_ =	shalt  }
0x7f: {  	_ =	shalt  }
0x80: {  	_ =	shalt  }
0x81: {  	_ =	shalt  }
0x82: {  	_ =	shalt  }
0x83: {  	_ =	shalt  }
0x84: {  	_ =	shalt  }
0x85: {  	_ =	shalt  }
0x86: {  	_ =	shalt  }
0x87: {  	_ =	shalt  }
.Lfunc_end0:
.L_simem_size_0:
called_computation_lowered:
.L_overlay_start_0:
0x88: {  	s2 =	sld [smem:$0x3FD9]  }
0x89: {  	s3 =	sld [smem:$0x3FFE];
	_ =	sdelay $0x1  }
0x8a: {  	s1 =	srdreg.scid  }
0x8b: {  	s0 =	sand.u32 $0x1, s1  }
0x8c: {  	s14 =	sshll.u32 s0, $0xA;
	s2 =	sadd.s32 s3, s2  }
0x8d: {  	s2 =	sadd.s32 s2, s14  }
0x8e: {  	[smem:$0x3FBD] =	sst s2  }
0x8f: {  	_ = 	snop  }
0x90: {  	s2 =	sld [smem:$0x3FD0];
	_ =	sdelay $0x2  }
0x91: {  	s15 =	simm.s32 $0xA;
	s4 =	simm.s32 $0x10  }
0x92: {  	[smem:s4], [sflag:s15] =	dma.local [hbm:s2], $0x1  }
0x93: {  	_ =	swait.eq [sflag:s15], $0x1  }
0x94: {  	[sflag:s15] =	ssyncset.done $0x0  }
0x95: {  	s16 =	sld [smem:$0x10];
	[sflag:s15] =	ssyncadd.s32 $0xFFFFFFFF  }
0x96: {  	s17 =	sld [smem:$0x11];
	(tm) =	ssettm $0x1  }
0x97: {  	s18 =	sld [smem:$0x3FFB];
	_ =	sdelay $0x3  }
0x98: {  	_ =	strace s18  }
0x99: {  	s4 =	sld [smem:$0x3FFC];
	_ =	sdelay $0x3  }
0x9a: {  	_ =	strace s4  }
0x9b: {  	s4 =	sld [smem:$0x3FFD];
	_ =	sdelay $0x3  }
0x9c: {  	_ =	strace s4  }
0x9d: {  	_ =	strace $0x8FFFFFFF  }
0x9e: {  	s19 =	sld [smem:$0x3FDB];
	_ =	sdelay $0x1  }
0x9f: {  	s5 =	simm.s32 $_scs_section_size  }
0xa0: {  	s6 =	simm.s32 $_size__tile_overlayer_lowered;
	s7 =	simm.s32 $_tile_overlayer_lowered  }
0xa1: {  	s22 =	simm.s32 $0x1BFF;
	s21 =	sshll.u32 s7, $0x1;
	s4 =	sadd.s32 s5, s19  }
0xa2: {  	s8 =	simm.s32 $0x0;
	s20 =	sshll.u32 s6, $0x1;
	s6 =	sadd.s32 s21, s4  }
0xa3: {  	[timem:s8], [sflag:s22] =	dma.local [hbm:s6], s20  }
0xa4: {  	_ =	swait.ge [sflag:s22], s20  }
0xa5: {  	s5 =	ssub.s32 $0x0, s20;
	[sflag:s22] =	ssyncset.done $0x0  }
0xa6: {  	[sflag:s22] =	ssyncadd.s32 s5;
	_ =	sdelay $0x1  }
0xa7: {  	s23 =	simm.s32 $0x1B8B  }
0xa8: {  	_ =	swait.ge [sflag:s23], $0x1  }
0xa9: {  	[sflag:s23] =	ssyncset.done $0x0  }
0xaa: {  	s25 =	simm.s32 $0x1B8E;
	s24 =	sld [smem:$0x3FFE];
	[sflag:s23] =	ssyncadd.s32 $0xFFFFFFFF  }
0xab: {  	s26 =	simm.s32 $execute0_lowered;
	[smem:$0x3FD2] =	sst s25  }
0xac: {  	s6 =	sshll.u32 s26, $0x1;
	_ =	strace $0x80000046;
	[dreg:$0x1] =	wrdreg $0xFFFFFFFF  }
0xad: {  	s28 =	simm.s32 $_size_execute0_lowered;
	s4 =	sadd.s32 s4, s6;
	[dreg:$0x0] =	wrdreg $0x0  }
0xae: {  	s6 =	sshll.u32 s28, $0x1;
	[dreg:$0x2] =	wrdreg s4  }
0xaf: {  	[dreg:$0x3] =	wrdreg s6  }
0xb0: {  	[dreg:$0x4] =	wrdreg $0xC0  }
0xb1: {  	_ =	task [dreg:s8], $0x5FFFF  }
0xb2: {  	[dreg:$0x1] =	wrdreg $0xFFFFFFFF  }
0xb3: {  	[dreg:$0x0] =	wrdreg $0x60  }
0xb4: {  	[dreg:$0x2] =	wrdreg s16  }
0xb5: {  	[dreg:$0x3] =	wrdreg s24  }
0xb6: {  	[dreg:$0x4] =	wrdreg s17  }
0xb7: {  	[dreg:$0x5] =	wrdreg $0x9  }
0xb8: {  	_ =	task.clear_ibuf [dreg:s8], $0x6FFFF;
	_ =	strace $0x90000046  }
0xb9: {  	s29 =	simm.s32 $0x9;
	_ =	strace $0x80000048  }
0xba: {  	_ =	swait.ge [sflag:s29], $0x1  }
0xbb: {  	[sflag:s29] =	ssyncadd.s32 $0xFFFFFFFF  }
0xbc: {  	_ =	strace $0x90000048  }
0xbd: {  	_ =	sfence  }
0xbe: {  	s30 =	sld [smem:$0x0];
	_ =	sdelay $0x2  }
0xbf: {  	s31 =	sshll.u32 s1, $0xD;
	s1 =	sshrl.u32 s1, $0x2  }
0xc0: {  	s3 =	sand.u32 $0x4000, s31;
	s1 =	sadd.s32 s1, s30  }
0xc1: {  	s0 =	sor.u32 s3, s0;
	s1 =	sshll.u32 s1, $0x11  }
0xc2: {  	s0 =	sor.u32 s1, s0  }
0xc3: {  	s0 =	sadd.s32 $0x8F2B, s0  }
0xc4: {  	[sflag:s0] =	ssyncadd.remote.s32 $0x1  }
0xc5: {  	_ =	sfence.sel $0xFFFF  }
0xc6: {  	[dreg:$0x0] =	wrdreg $0xFFFFFFFF;
	(pc) =	sbr.abs _section_cstart, $3  }
0xc7: {  	[dreg:$0x1] =	wrdreg $0xFFFFFFFF  }
0xc8: {  	_ =	task.clear_ibuf [dreg:s8], $0x2FFFF;
	_ =	strace $0x9FFFFFFF  }
0xc9: {  	(tm) =	ssettm $0x7FFFFFFF  }
tec
execute0_lowered:
.L_overlay_start_1:
0x0: {  	(tag) =	ssettag $0x1  }
0x1: {  	s4 =	rddreg [dreg:$0x0]  }
0x2: {  	s5 =	rddreg [dreg:$0x1]  }
0x3: {  	s6 =	rddreg [dreg:$0x2]  }
0x4: {  	s0 =	rddreg [dreg:$0x3]  }
0x5: {  	s2 =	simm.s32 $0x0;
	s3 =	srdreg.scid;
	s1 =	stileid.u32  }
0x6: {  	s11 =	simm.s32 $0x4000;
	s12 =	simm.s32 $0x0;
	[smem:$0x7FF] =	sst s2  }
0x7: {  	v0 =	vlaneseq.u32;
	s3 =	sand.u32 $0x1, s3;
	s7 =	sshll.u32 s1, $0x1;
	_ =	strace $0x80000047  }
0x8: {  	v0 =	vmul.u32 $0x200, v0;
	s7 =	sor.u32 s3, s7;
	s8 =	ssub.s32 $0x2, s3;
	s3 =	sadd.s32 $0x2600, s5  }
0x9: {  	s9 =	sshll.u32 s7, $0xA;
	s10 =	sshrl.u32 s8, $0x1;
	s7 =	sshll.u32 s7, $0x1  }
0xa: {  	v8 =	vimm.f32 $1.000000000e+00;
	v1 =	vor.u32 $0x1, v0;
	s5 =	sadd.s32 s9, s5;
	s8 =	ssub.s32 s8, s10;
	s4 =	sadd.s32 s4, s9  }
0xb: {  	v2 =	vor.u32 $0x2, v0;
	v3 =	vor.u32 $0x3, v0;
	v4 =	vor.u32 $0x4, v0;
	s6 =	sadd.s32 s6, s7;
	s9 =	simm.s32 $0x2000;
	s10 =	simm.s32 $0x1  }
0xc: {  	v5 =	vor.u32 $0x5, v0;
	v6 =	vor.u32 $0x6, v0;
	v7 =	vor.u32 $0x7, v0;
	s5 =	sadd.s32 $0x2A00, s5;
	s7 =	smax.u32 s8, $0x1;
	s8 =	simm.s32 $0x2  }
.LBB2_1:
0xd: {  	s15 =	simm.s32 $0x0  }
0xe: {  	[tilespmem:s2], [sflag:$0x2] =	stream.linear.gather [hbm4b:s4+s2], $0x2000, $0x38;
	v9 =	vor.u32 s15, v0;
	[tilespmem:$0x4080] =	vst v63  }
0xf: {  	_ =	swait.ge [sflag:s8], $0x2000  }
0x10: {  	v10 =	vor.u32 s15, v1;
	[sflag:s8] =	ssyncset.done $0x0  }
0x11: {  	[sflag:s8] =	ssyncadd.s32 $0xFFFFE000  }
0x12: {  	v11 =	vor.u32 s15, v2;
	[tilespmem:s9], [sflag:$0x1] =	stream.linear.gather [hbm4b:s3+s2], $0x2000, $0x38;
	[tilespmem:$0x4080] =	vst v63  }
0x13: {  	v12 =	vld.idx.msk [tilespmem:v9+s2+$0x0], $0xffff  }
0x14: {  	v13 =	vor.u32 s15, v3  }
0x15: {  	v15 =	vld.idx.msk [tilespmem:v10+s2+$0x0], $0xffff  }
0x16: {  	v16 =	vor.u32 s15, v4  }
0x17: {  	v17 =	vor.u32 s15, v5;
	v10 =	vimm.f32 $-Inf;
	v9 =	vld.idx.msk [tilespmem:v11+s2+$0x0], $0xffff  }
0x18: {  	vm0 =	vgt.f32 v12, v10  }
0x19: {  	v14 =	vor.u32 s15, v6;
	v12 =	vsel vm0, v12, v10;
	v10 =	vld.idx.msk [tilespmem:v13+s2+$0x0], $0xffff  }
0x1a: {  	v11 =	vimm.s32 $0x0;
	vm1 =	vgt.f32 v15, v12  }
0x1b: {  	s14 =	simm.s32 $0x7;
	s13 =	simm.s32 $0xF;
	s16 =	simm.s32 $0x1;
	v13 =	vsel vm0, s15, v11;
	v11 =	vld.idx.msk [tilespmem:v16+s2+$0x0], $0xffff;
	v16 =	vsel vm1, v15, v12;
	v15 =	vor.u32 s15, v7  }
0x1c: {  	s17 =	simm.s32 $0x2;
	v12 =	vsel vm1, s16, v13;
	s15 =	simm.s32 $0x8;
	s16 =	simm.s32 $0x17;
	v13 =	vld.idx.msk [tilespmem:v17+s2+$0x0], $0xffff;
	vm0 =	vgt.f32 v9, v16  }
.LBB2_2:
0x1d: {  	p0 =	sne.s32 s16, $0x1FF;
	v17 =	vor.u32 s15, v0;
	v9 =	vsel vm0, v9, v16;
	v12 =	vsel vm0, s17, v12  }
0x1e: {  	s17 =	sadd.s32 $0xFFFFFFFC, s14;
	vm0 =	vgt.f32 v10, v9;
	v14 =	vld.idx.msk [tilespmem:v14+s2+$0x0], $0xffff  }
0x1f: {  	v16 =	vor.u32 s15, v1;
	v9 =	vsel vm0, v10, v9;
	v10 =	vsel vm0, s17, v12  }
0x20: {  	s17 =	sadd.s32 $0xFFFFFFFD, s14;
	vm0 =	vgt.f32 v11, v9;
	v12 =	vld.idx.msk [tilespmem:v15+s2+$0x0], $0xffff  }
0x21: {  	v15 =	vor.u32 s15, v2;
	v9 =	vsel vm0, v11, v9;
	v10 =	vsel vm0, s17, v10  }
0x22: {  	s17 =	sadd.s32 $0xFFFFFFFE, s14;
	v11 =	vld.idx.msk [tilespmem:v17+s2+$0x0], $0xffff;
	vm0 =	vgt.f32 v13, v9  }
0x23: {  	v17 =	vor.u32 s15, v3;
	v9 =	vsel vm0, v13, v9;
	v10 =	vsel vm0, s17, v10  }
0x24: {  	s17 =	sadd.s32 $0xFFFFFFFF, s14;
	v13 =	vld.idx.msk [tilespmem:v16+s2+$0x0], $0xffff;
	vm0 =	vgt.f32 v14, v9  }
0x25: {  	v16 =	vor.u32 s15, v4;
	v14 =	vsel vm0, v14, v9;
	v10 =	vsel vm0, s17, v10  }
0x26: {  	v9 =	vld.idx.msk [tilespmem:v15+s2+$0x0], $0xffff;
	vm0 =	vgt.f32 v12, v14  }
0x27: {  	v18 =	vor.u32 s15, v5;
	v12 =	vsel vm0, v12, v14;
	v14 =	vsel vm0, s14, v10;
	s14 =	smov.u32 s13;
	s13 =	smov.u32 s16  }
.Ltmp0:
0x28: {  	vm0 =	vgt.f32 v11, v12;
	v10 =	vld.idx.msk [tilespmem:v17+s2+$0x0], $0xffff;
	(pc) =	sbr.rel @p0 .LBB2_2-.Ltmp0, $4  }
0x29: {  	v12 =	vsel vm0, v11, v12;
	v15 =	vsel vm0, s15, v14;
	v14 =	vor.u32 s15, v6  }
0x2a: {  	s17 =	sadd.s32 $0xFFFFFFFA, s14;
	vm0 =	vgt.f32 v13, v12;
	v11 =	vld.idx.msk [tilespmem:v16+s2+$0x0], $0xffff  }
0x2b: {  	v16 =	vsel vm0, v13, v12;
	v12 =	vsel vm0, s17, v15;
	v15 =	vor.u32 s15, v7  }
0x2c: {  	s16 =	sadd.s32 $0x8, s16;
	s15 =	sadd.s32 $0xFFFFFFF9, s13;
	s17 =	sadd.s32 $0xFFFFFFFB, s14;
	vm0 =	vgt.f32 v9, v16;
	v13 =	vld.idx.msk [tilespmem:v18+s2+$0x0], $0xffff  }
0x2d: {  	_ =	sdelay $0x1  }
0x2e: {  	v9 =	vsel vm0, v9, v16  }
0x2f: {  	v57 =	vor.u32 s15, v0;
	vm1 =	vgt.f32 v10, v9  }
0x30: {  	v14 =	vld.idx.msk [tilespmem:v14+s2+$0x0], $0xffff;
	v9 =	vsel vm1, v10, v9  }
0x31: {  	v10 =	vor.u32 s15, v1;
	vm2 =	vgt.f32 v11, v9  }
0x32: {  	v15 =	vld.idx.msk [tilespmem:v15+s2+$0x0], $0xffff;
	v9 =	vsel vm2, v11, v9  }
0x33: {  	v11 =	vor.u32 s15, v2;
	vm3 =	vgt.f32 v13, v9  }
0x34: {  	v16 =	vld.idx.msk [tilespmem:v57+s2+$0x0], $0xffff;
	v9 =	vsel vm3, v13, v9  }
0x35: {  	v58 =	vor.u32 s15, v3;
	vm4 =	vgt.f32 v14, v9  }
0x36: {  	v10 =	vld.idx.msk [tilespmem:v10+s2+$0x0], $0xffff;
	v9 =	vsel vm4, v14, v9  }
0x37: {  	v59 =	vor.u32 s15, v4;
	vm5 =	vgt.f32 v15, v9  }
0x38: {  	v11 =	vld.idx.msk [tilespmem:v11+s2+$0x0], $0xffff;
	v9 =	vsel vm5, v15, v9  }
0x39: {  	v60 =	vor.u32 s15, v5;
	vm6 =	vgt.f32 v16, v9  }
0x3a: {  	v13 =	vld.idx.msk [tilespmem:v58+s2+$0x0], $0xffff;
	v9 =	vsel vm6, v16, v9  }
0x3b: {  	v12 =	vsel vm0, s17, v12;
	s16 =	sadd.s32 $0xFFFFFFFC, s14;
	v61 =	vor.u32 s15, v6;
	vm9 =	vgt.f32 v10, v9  }
0x3c: {  	s22 =	sadd.s32 $0xFFFFFFFD, s14;
	v12 =	vsel vm1, s16, v12;
	v14 =	vld.idx.msk [tilespmem:v59+s2+$0x0], $0xffff;
	v9 =	vsel vm9, v10, v9  }
0x3d: {  	s23 =	sadd.s32 $0xFFFFFFFE, s14;
	v62 =	vor.u32 s15, v7;
	v10 =	vsel vm2, s22, v12;
	vm10 =	vgt.f32 v11, v9  }
0x3e: {  	s24 =	sadd.s32 $0xFFFFFFFF, s14;
	v10 =	vsel vm3, s23, v10;
	v9 =	vsel vm10, v11, v9;
	v11 =	vld.idx.msk [tilespmem:v60+s2+$0x0], $0xffff  }
0x3f: {  	v10 =	vsel vm4, s24, v10;
	vm11 =	vgt.f32 v13, v9  }
0x40: {  	v63 =	vld.idx.msk [tilespmem:v61+s2+$0x0], $0xffff;
	v10 =	vsel vm5, s14, v10;
	v9 =	vsel vm11, v13, v9  }
0x41: {  	s25 =	sadd.s32 $0xFFFFFFFA, s13;
	v10 =	vsel vm6, s15, v10;
	vm12 =	vgt.f32 v14, v9  }
0x42: {  	s26 =	sadd.s32 $0xFFFFFFFB, s13;
	v12 =	vld.idx.msk [tilespmem:v62+s2+$0x0], $0xffff;
	v10 =	vsel vm9, s25, v10;
	v9 =	vsel vm12, v14, v9  }
0x43: {  	s28 =	sadd.s32 $0xFFFFFFFC, s13;
	v10 =	vsel vm10, s26, v10;
	vm13 =	vgt.f32 v11, v9  }
0x44: {  	s29 =	sadd.s32 $0xFFFFFFFD, s13;
	v10 =	vsel vm11, s28, v10;
	v9 =	vsel vm13, v11, v9  }
0x45: {  	s30 =	sadd.s32 $0xFFFFFFFE, s13;
	v10 =	vsel vm12, s29, v10;
	vm14 =	vgt.f32 v63, v9  }
0x46: {  	s31 =	sadd.s32 $0xFFFFFFFF, s13;
	v10 =	vsel vm13, s30, v10;
	v9 =	vsel vm14, v63, v9  }
0x47: {  	v10 =	vsel vm14, s31, v10;
	vm15 =	vgt.f32 v12, v9  }
0x48: {  	v9 =	vsel vm15, s13, v10  }
0x49: {  	v10 =	vadd.s32 v0, v9;
	_ =	sdelay $0x1  }
0x4a: {  	_ =	swait.ge [sflag:s10], $0x2000  }
0x4b: {  	[sflag:s10] =	ssyncset.done $0x0  }
0x4c: {  	[sflag:s10] =	ssyncadd.s32 $0xFFFFE000  }
0x4d: {  	[tilespmem:v10+s9+$0x0] =	vst.idx.msk $0xffff, v8  }
0x4e: {  	[tilespmem:$0x4000] =	vst v9  }
0x4f: {  	[hbm4b:s5+s2] =	stream.linear.scatter [tilespmem:s9], [sflag:$0x2], $0x2000, $0x38;
	[tilespmem:$0x4080] =	vst v63  }
0x50: {  	s12 =	sadd.s32 $0x1, s12;
	_ =	swait.ge [sflag:s8], $0x2000  }
0x51: {  	p0 =	sne.s32 s12, s7;
	[sflag:s8] =	ssyncset.done $0x0  }
.Ltmp1:
0x52: {  	[sflag:s8] =	ssyncadd.s32 $0xFFFFE000;
	(pc) =	sbr.rel @p0 .LBB2_1-.Ltmp1, $4  }
0x53: {  	[hbm4b:s6+s2] =	stream.linear.scatter [tilespmem:s11], [sflag:$0x2], $0x10, $0x38;
	[tilespmem:$0x4080] =	vst v63  }
0x54: {  	_ =	swait.ge [sflag:s8], $0x10  }
0x55: {  	[sflag:s8] =	ssyncset.done $0x0  }
0x56: {  	[sflag:s8] =	ssyncadd.s32 $0xFFFFFFF0  }
0x57: {  	_ =	sfence.sel $0x180000  }
0x58: {  	[bflag:$0x0] =	sbarrier.arrive $0xFFFF  }
0x59: {  	p0 =	sne.s32 s1, $0x0;
	_ =	strace $0x90000047  }
0x5a: {  	s0 =	sadd.s32 @!p0 $0x100000, s0;
	[bflag:$0x2] =	sbarrier.arrive $0xFFFF  }
0x5b: {  	[sflag:s0] =	ssyncadd.tile.s32 @!p0 $0x1;
	_ =	shalt  }
.Lfunc_end2:
_tile_overlayer_lowered:
.L_overlay_start_2:
0x5c: {  	(tag) =	ssettag $0x2  }
0x5d: {  	s0 =	rddreg [dreg:$0x0];
	s2 =	stileid.u32  }
0x5e: {  	s1 =	rddreg [dreg:$0x1];
	p0 =	sne.s32 s2, $0x0  }
0x5f: {  	s3 =	rddreg [dreg:$0x2];
	[bflag:$0x3] =	sbarrier.arrive $0xFFFF;
	s2 =	simm.s32 @!p0 $0x1C02  }
0x60: {  	[timem:s3], [sflag:s2] =	dma.local @!p0 [hbm:s0], s1  }
0x61: {  	s0 =	simm.s32 @!p0 $0x2  }
0x62: {  	_ =	swait.ge @!p0 [sflag:s0], s1  }
0x63: {  	s1 =	ssub.s32 @!p0 $0x0, s1;
	[sflag:s0] =	ssyncset.done @!p0 $0x0  }
0x64: {  	[sflag:s0] =	ssyncadd.s32 @!p0 s1  }
0x65: {  	[bflag:$0x3] =	sbarrier.arrive $0xFFFF  }
0x66: {  	_ =	shalt  }

</sc_bundles>
